<compile_context>
chip_gen: v7x
topology: tpu7x:2x2x1
jax: 0.10.2.dev20260603
libtpu: 0.0.44.dev20260713+nightly
codegen_flags: <defaults>
</compile_context>

<pallas_src>
import functools

import jax
import jax.numpy as jnp
from jax import lax
from jax.experimental import pallas as pl
from jax.experimental.pallas import tpu as pltpu
from jax.experimental.pallas import tpu_sc as plsc

_EPS = 1e-08
_M = 1024
_RPC = 128
_SPLIT = 5


def _stats1_kernel(x_ref, w_ref, b_ref, acc_ref):
    i = pl.program_id(0)
    y = jnp.dot(x_ref[...], w_ref[...].T, preferred_element_type=jnp.float32)
    y = y + b_ref[...]
    s = jnp.sum(y, axis=0, keepdims=True)
    ss = jnp.sum(y * y, axis=0, keepdims=True)
    blk = jnp.concatenate([s, ss], axis=0)

    @pl.when(i == 0)
    def _():
        acc_ref[...] = blk

    @pl.when(i > 0)
    def _():
        acc_ref[...] += blk


def _f2_kernel(x_ref, w_ref, b_ref, g_ref, beta_ref, out_ref):
    y = jnp.dot(x_ref[...], w_ref[...].T, preferred_element_type=jnp.float32)
    y = y + b_ref[...]
    m = jnp.mean(y, axis=0, keepdims=True)
    v = jnp.mean((y - m) ** 2, axis=0, keepdims=True)
    f2 = jnp.maximum(
        (y - m) / jnp.sqrt(v + 1e-5) * g_ref[...] + beta_ref[...], 0.0
    )
    out_ref[...] = jnp.concatenate([f2, jnp.zeros_like(f2)], axis=1)


def _f1_and_top3(x1_ref, p1_ref, p2t_ref, w1_ref, b1_ref, g1_ref, beta1_ref,
                 stats_ref, n_rows):
    mean = stats_ref[0:1, :] / n_rows
    var = stats_ref[1:2, :] / n_rows - mean * mean
    x1 = x1_ref[0]
    y1 = jnp.dot(x1, w1_ref[...].T, preferred_element_type=jnp.float32)
    y1 = y1 + b1_ref[...]
    f1 = jnp.maximum(
        (y1 - mean) / jnp.sqrt(var + 1e-5) * g1_ref[...] + beta1_ref[...], 0.0
    )

    p1 = p1_ref[0]
    p2t = p2t_ref[0]
    q2 = jnp.sum(p1 * p1, axis=1, keepdims=True)
    r2 = jnp.sum(p2t * p2t, axis=0, keepdims=True)
    cross = jnp.dot(p1, p2t, preferred_element_type=jnp.float32)
    d2 = jnp.maximum(q2 + r2 - 2.0 * cross, 0.0)

    iota = jax.lax.broadcasted_iota(jnp.int32, d2.shape, 1)
    hi = jnp.int32(-2048)
    ukey = (jax.lax.bitcast_convert_type(d2, jnp.int32) & hi) | iota
    fkey = jax.lax.bitcast_convert_type(ukey + jnp.int32(0x00800000),
                                        jnp.float32)
    fbig = jnp.float32(3e38)
    m1 = jnp.min(fkey, axis=1, keepdims=True)
    u2 = jnp.where(fkey == m1, fbig, fkey)
    m2 = jnp.min(u2, axis=1, keepdims=True)
    m3 = jnp.min(jnp.where(u2 == m2, fbig, u2), axis=1, keepdims=True)
    ikeys = [jax.lax.bitcast_convert_type(mk, jnp.int32)
             for mk in (m1, m2, m3)]
    mins = [
        jax.lax.bitcast_convert_type(
            (ik - jnp.int32(0x00800000)) & hi, jnp.float32)
        for ik in ikeys
    ]
    recips = [1.0 / (jnp.sqrt(mn) + _EPS) for mn in mins]
    norm = recips[0] + recips[1] + recips[2]
    weights = [rc / norm for rc in recips]
    return f1, fkey, (m1, m2, m3), ikeys, weights


def _knn_emit_kernel(x1_ref, p1_ref, p2t_ref, w1_ref, b1_ref, g1_ref,
                     beta1_ref, stats_ref, f1_ref, w3_ref, idx3_ref,
                     *, n_rows, n2):
    f1, _, _, ikeys, weights = _f1_and_top3(
        x1_ref, p1_ref, p2t_ref, w1_ref, b1_ref, g1_ref, beta1_ref,
        stats_ref, n_rows)
    f1_ref[0] = f1
    cols = [ik & jnp.int32(2047) for ik in ikeys]
    gbase = pl.program_id(0) * n2
    w3_ref[0] = jnp.concatenate(weights, axis=1)
    idx3_ref[0] = jnp.concatenate(cols, axis=1) + gbase


def _knn_onehot_kernel(x1_ref, p1_ref, p2t_ref, f2_ref, w1_ref, b1_ref,
                       g1_ref, beta1_ref, stats_ref, out_ref,
                       *, n_rows, n2, feat):
    f1, fkey, (m1, m2, m3), _, weights = _f1_and_top3(
        x1_ref, p1_ref, p2t_ref, w1_ref, b1_ref, g1_ref, beta1_ref,
        stats_ref, n_rows)
    oh = jnp.where(
        fkey == m1, weights[0],
        jnp.where(fkey == m2, weights[1],
                  jnp.where(fkey == m3, weights[2], 0.0)),
    )
    f2b = f2_ref[0][:, :feat]
    new = jnp.dot(oh, f2b, preferred_element_type=jnp.float32)
    out_ref[0] = f1 + new


def _make_sc_combine(n_rows, feat):
    info = plsc.get_sparse_core_info()
    nw = info.num_cores * info.num_subcores
    rows_per_w = n_rows // nw
    nchunks = rows_per_w // _RPC
    ni = _RPC * 3
    mesh = plsc.VectorSubcoreMesh(core_axis_name="c", subcore_axis_name="s")

    @functools.partial(
        pl.kernel, mesh=mesh,
        out_type=jax.ShapeDtypeStruct((n_rows, feat), jnp.float32),
        scratch_types=[
            pltpu.VMEM((ni,), jnp.int32),
            pltpu.VMEM((ni + 16,), jnp.float32),
            pltpu.VMEM((ni, 2 * feat), jnp.float32),
            pltpu.VMEM((_RPC, feat), jnp.float32),
            pltpu.SemaphoreType.DMA,
        ],
    )
    def sc_combine(f2_hbm, idx_hbm, w_hbm, f1_hbm, out_hbm,
                   idx_v, w_v, rows_v, f1_v, sem):
        wid = lax.axis_index("s") * info.num_cores + lax.axis_index("c")
        base = wid * rows_per_w

        def chunk_body(g, carry):
            row0 = base + g * _RPC
            pltpu.sync_copy(idx_hbm.at[pl.ds(row0 * 3, ni)], idx_v)
            pltpu.sync_copy(w_hbm.at[pl.ds(row0 * 3, ni)],
                            w_v.at[pl.ds(0, ni)])
            pltpu.sync_copy(f1_hbm.at[pl.ds(row0, _RPC)], f1_v)
            copies = [
                pltpu.async_copy(
                    f2_hbm.at[idx_v.at[pl.ds(q * 128, 128)]],
                    rows_v.at[pl.ds(q * 128, 128)],
                    sem,
                )
                for q in range(ni // 128)
            ]
            for c in copies:
                c.wait()

            def row_body(r, c2):
                wvec = w_v[pl.ds(r * 3, 16)]
                for j in range(feat // 16):
                    sl = pl.ds(j * 16, 16)
                    acc = f1_v[r, sl]
                    for k in range(3):
                        acc = acc + wvec[k] * rows_v[r * 3 + k, sl]
                    f1_v[r, sl] = acc
                return c2

            lax.fori_loop(0, _RPC, row_body, 0, unroll=2)
            pltpu.sync_copy(f1_v, out_hbm.at[pl.ds(row0, _RPC)])
            return carry

        lax.fori_loop(0, nchunks, chunk_body, 0)

    return sc_combine


def kernel(feats1, points1, feats2, points2, W1, b1, g1, beta1, W2, b2, g2,
           beta2):
    B, N1, C1 = feats1.shape
    _, N2, C2 = feats2.shape
    C = W1.shape[0]
    x1 = feats1.reshape(B * N1, C1)
    x2 = feats2.reshape(B * N2, C2)
    b1r = b1.reshape(1, C)
    g1r = g1.reshape(1, C)
    beta1r = beta1.reshape(1, C)
    b2r = b2.reshape(1, C)
    g2r = g2.reshape(1, C)
    beta2r = beta2.reshape(1, C)

    chunk = 4096
    nchunks = (B * N1) // chunk
    stats = pl.pallas_call(
        _stats1_kernel,
        grid=(nchunks,),
        in_specs=[
            pl.BlockSpec((chunk, C1), lambda i: (i, 0)),
            pl.BlockSpec((C, C1), lambda i: (0, 0)),
            pl.BlockSpec((1, C), lambda i: (0, 0)),
        ],
        out_specs=pl.BlockSpec((2, C), lambda i: (0, 0)),
        out_shape=jax.ShapeDtypeStruct((2, C), jnp.float32),
    )(x1, W1, b1r)

    f2 = pl.pallas_call(
        _f2_kernel,
        out_shape=jax.ShapeDtypeStruct((B * N2, 2 * C), jnp.float32),
    )(x2, W2, b2r, g2r, beta2r)

    p2t = points2.transpose(0, 2, 1)

    nba = _SPLIT
    nbb = N1 // _M - nba
    n1a = nba * _M

    f1a, w3, idx3 = pl.pallas_call(
        functools.partial(_knn_emit_kernel, n_rows=float(B * N1), n2=N2),
        grid=(B, nba),
        in_specs=[
            pl.BlockSpec((1, _M, C1), lambda b, n: (b, n, 0)),
            pl.BlockSpec((1, _M, 3), lambda b, n: (b, n, 0)),
            pl.BlockSpec((1, 3, N2), lambda b, n: (b, 0, 0)),
            pl.BlockSpec((C, C1), lambda b, n: (0, 0)),
            pl.BlockSpec((1, C), lambda b, n: (0, 0)),
            pl.BlockSpec((1, C), lambda b, n: (0, 0)),
            pl.BlockSpec((1, C), lambda b, n: (0, 0)),
            pl.BlockSpec((2, C), lambda b, n: (0, 0)),
        ],
        out_specs=(
            pl.BlockSpec((1, _M, C), lambda b, n: (b, n, 0)),
            pl.BlockSpec((1, _M, 3), lambda b, n: (b, n, 0)),
            pl.BlockSpec((1, _M, 3), lambda b, n: (b, n, 0)),
        ),
        out_shape=(
            jax.ShapeDtypeStruct((B, n1a, C), jnp.float32),
            jax.ShapeDtypeStruct((B, n1a, 3), jnp.float32),
            jax.ShapeDtypeStruct((B, n1a, 3), jnp.int32),
        ),
    )(feats1, points1, p2t, W1, b1r, g1r, beta1r, stats)

    sc_combine = _make_sc_combine(B * n1a, C)
    out_a = sc_combine(
        f2,
        idx3.reshape(B * n1a * 3),
        w3.reshape(B * n1a * 3),
        f1a.reshape(B * n1a, C),
    )

    out_b = pl.pallas_call(
        functools.partial(_knn_onehot_kernel, n_rows=float(B * N1), n2=N2,
                          feat=C),
        grid=(B, nbb),
        in_specs=[
            pl.BlockSpec((1, _M, C1), lambda b, n: (b, n + nba, 0)),
            pl.BlockSpec((1, _M, 3), lambda b, n: (b, n + nba, 0)),
            pl.BlockSpec((1, 3, N2), lambda b, n: (b, 0, 0)),
            pl.BlockSpec((1, N2, 2 * C), lambda b, n: (b, 0, 0)),
            pl.BlockSpec((C, C1), lambda b, n: (0, 0)),
            pl.BlockSpec((1, C), lambda b, n: (0, 0)),
            pl.BlockSpec((1, C), lambda b, n: (0, 0)),
            pl.BlockSpec((1, C), lambda b, n: (0, 0)),
            pl.BlockSpec((2, C), lambda b, n: (0, 0)),
        ],
        out_specs=pl.BlockSpec((1, _M, C), lambda b, n: (b, n, 0)),
        out_shape=jax.ShapeDtypeStruct((B, N1 - n1a, C), jnp.float32),
    )(feats1, points1, p2t, f2.reshape(B, N2, 2 * C), W1, b1r, g1r, beta1r,
      stats)

    out = jnp.concatenate([out_a.reshape(B, n1a, C), out_b], axis=1)
    return (out, points1)

# --- scband reference (transcript-rebuilt; emitter-appended) ---
"""Pipeline reference for scband-transition-up-85461259256091 (READ-ONLY COPY).

The authoritative reference and input builder live on the scoring server;
editing this copy changes nothing except your own understanding.
"""

import jax, jax.numpy as jnp
import numpy as np

EPS = 1e-08


def setup_inputs(seed: int = 0) -> dict:
    key = jax.random.key(seed)
    ks = jax.random.split(key, 8)
    B, N1, N2 = 4, 8192, 2048
    in_feats, out_feats = 256, 64
    return {
        "feats1": jax.random.normal(ks[0], (B, N1, out_feats), dtype=jnp.float32),
        "points1": jax.random.uniform(ks[1], (B, N1, 3), dtype=jnp.float32),
        "feats2": jax.random.normal(ks[2], (B, N2, in_feats), dtype=jnp.float32),
        "points2": jax.random.uniform(ks[3], (B, N2, 3), dtype=jnp.float32),
        "W1": jax.random.normal(ks[4], (out_feats, out_feats), dtype=jnp.float32) * (1.0 / np.sqrt(out_feats)),
        "b1": jnp.zeros((out_feats,), dtype=jnp.float32),
        "g1": jnp.ones((out_feats,), dtype=jnp.float32),
        "beta1": jnp.zeros((out_feats,), dtype=jnp.float32),
        "W2": jax.random.normal(ks[5], (out_feats, in_feats), dtype=jnp.float32) * (1.0 / np.sqrt(in_feats)),
        "b2": jnp.zeros((out_feats,), dtype=jnp.float32),
        "g2": jnp.ones((out_feats,), dtype=jnp.float32),
        "beta2": jnp.zeros((out_feats,), dtype=jnp.float32),
    }


def _bn_relu(x, g, b):
    # BatchNorm1d in training mode over [B, C, N] -> stats over batch and point dims
    mean = jnp.mean(x, axis=(0, 1), keepdims=True)
    var = jnp.var(x, axis=(0, 1), keepdims=True)
    return jax.nn.relu((x - mean) / jnp.sqrt(var + 1e-5) * g + b)


def reference(feats1, points1, feats2, points2, W1, b1, g1, beta1, W2, b2, g2, beta2):
    k = 3  # d_points used as KNN k in trilinear_interpolate
    f1 = _bn_relu(feats1 @ W1.T + b1, g1, beta1)
    f2 = _bn_relu(feats2 @ W2.T + b2, g2, beta2)
    # knn_point_sampling(ref=points2, query=points1, k): brute-force euclidean KNN
    q2 = jnp.sum(points1 * points1, axis=-1, keepdims=True)           # [B, N1, 1]
    r2 = jnp.sum(points2 * points2, axis=-1)[:, None, :]              # [B, 1, N2]
    d2 = q2 + r2 - 2.0 * jnp.einsum("bnd,bmd->bnm", points1, points2)
    dist_full = jnp.sqrt(jnp.maximum(d2, 0.0))                        # [B, N1, N2]
    neg_d, idx = jax.lax.top_k(-dist_full, k)                         # smallest-k, ascending
    dist = -neg_d                                                     # [B, N1, k]
    dist_recip = 1.0 / (dist + EPS)
    norm = jnp.sum(dist_recip, axis=2, keepdims=True)
    weight = dist_recip / norm                                        # [B, N1, k]
    gathered = jax.vmap(lambda f, i: f[i])(f2, idx)                   # [B, N1, k, C]
    b, n, _ = points1.shape
    new_feats = jnp.sum(gathered * weight.reshape(b, n, k, 1), axis=2)
    feats = f1 + new_feats
    return (feats, points1)

if __name__ == "__main__":
    import jax
    _d = setup_inputs()
    print(jax.jit(kernel)(*tuple(_d.values())))

</pallas_src>

<mosaic_0001>
#map = affine_map<(d0, d1) -> (0, 0)>
#map1 = affine_map<(d0, d1) -> (0)>
module attributes {stable_mosaic.version = 14 : i64} {
  func.func @sc_combine(%arg0: i32, %arg1: i32, %arg2: memref<8192x128xf32, #tpu.memory_space<hbm>>, %arg3: memref<61440xi32, #tpu.memory_space<hbm>>, %arg4: memref<61440xf32, #tpu.memory_space<hbm>>, %arg5: memref<20480x64xf32, #tpu.memory_space<hbm>>, %arg6: memref<20480x64xf32, #tpu.memory_space<hbm>>, %arg7: memref<384xi32, #tpu.memory_space<vmem>>, %arg8: memref<400xf32, #tpu.memory_space<vmem>>, %arg9: memref<384x128xf32, #tpu.memory_space<vmem>>, %arg10: memref<128x64xf32, #tpu.memory_space<vmem>>, %arg11: memref<!tpu.dma_semaphore, #tpu.memory_space<semaphore_mem>>) attributes {dimension_semantics = [#tpu.dimension_semantics<core_parallel>, #tpu.dimension_semantics<subcore_parallel>], iteration_bounds = array<i64: 2, 16>, scalar_prefetch = 0 : i64, scratch_operands = 5 : i64, tpu.core_type = #tpu.core_type<sc_vector_subcore>, window_params = [{transform_indices = #map}, {transform_indices = #map1}, {transform_indices = #map1}, {transform_indices = #map}, {transform_indices = #map}]} {
    %mul3A = arith.constant 2 : i32
    %mul3A_0 = arith.muli %arg1, %mul3A : i32
    %add3A = arith.addi %mul3A_0, %arg0 : i32
    %mul3A_1 = arith.constant 640 : i32
    %mul3A_2 = arith.muli %add3A, %mul3A_1 : i32
    %scan3A = arith.constant 0 : i32
    %scan3A_3 = arith.constant 0 : i32
    %scan3A_4 = arith.constant 5 : i32
    %scan3A_5 = arith.addi %scan3A_3, %scan3A_4 : i32
    %scan3A_6 = arith.constant 1 : i32
    scf.for %scan3A_8 = %scan3A_3 to %scan3A_5 step %scan3A_6  : i32 {
      %mul3A_9 = arith.constant 128 : i32
      %mul3A_10 = arith.muli %scan3A_8, %mul3A_9 : i32
      %add3A_11 = arith.addi %mul3A_2, %mul3A_10 : i32
      %mul3A_12 = arith.constant 3 : i32
      %mul3A_13 = arith.muli %add3A_11, %mul3A_12 : i32
      "tpu.region"() ({
        %run_scoped3A = tpu.sem_alloc : memref<!tpu.dma_semaphore, #tpu.memory_space<semaphore_mem>>
        %dma_start3A_68 = tpu.memref_slice %arg3[%mul3A_13] : memref<61440xi32, #tpu.memory_space<hbm>> -> memref<384xi32, #tpu.memory_space<hbm>>
        %dma_start3A_69 = tpu.memref_slice %arg3[%mul3A_13] : memref<61440xi32, #tpu.memory_space<hbm>> -> memref<384xi32, #tpu.memory_space<hbm>>
        tpu.enqueue_dma source(%dma_start3A_69 : memref<384xi32, #tpu.memory_space<hbm>>) target(%arg7 : memref<384xi32, #tpu.memory_space<vmem>>) target_semaphore(%run_scoped3A : memref<!tpu.dma_semaphore, #tpu.memory_space<semaphore_mem>>)
        %dma_wait3A_70 = tpu.memref_slice %arg3[%mul3A_13] : memref<61440xi32, #tpu.memory_space<hbm>> -> memref<384xi32, #tpu.memory_space<hbm>>
        %dma_wait3A_71 = tpu.memref_slice %arg3[%mul3A_13] : memref<61440xi32, #tpu.memory_space<hbm>> -> memref<384xi32, #tpu.memory_space<hbm>>
        tpu.wait_dma2 semaphore(%run_scoped3A : memref<!tpu.dma_semaphore, #tpu.memory_space<semaphore_mem>>) src(%dma_wait3A_71 : memref<384xi32, #tpu.memory_space<hbm>>) dst(%arg7 : memref<384xi32, #tpu.memory_space<vmem>>)
        tpu.yield
      }) : () -> ()
      %mul3A_14 = arith.constant 3 : i32
      %mul3A_15 = arith.muli %add3A_11, %mul3A_14 : i32
      "tpu.region"() ({
        %run_scoped3A = tpu.sem_alloc : memref<!tpu.dma_semaphore, #tpu.memory_space<semaphore_mem>>
        %dma_start3A_68 = arith.constant 0 : i32
        %dma_start3A_69 = tpu.memref_slice %arg8[%dma_start3A_68] : memref<400xf32, #tpu.memory_space<vmem>> -> memref<384xf32, #tpu.memory_space<vmem>>
        %dma_start3A_70 = tpu.memref_slice %arg4[%mul3A_15] : memref<61440xf32, #tpu.memory_space<hbm>> -> memref<384xf32, #tpu.memory_space<hbm>>
        %dma_start3A_71 = arith.constant 0 : i32
        %dma_start3A_72 = tpu.memref_slice %arg8[%dma_start3A_71] : memref<400xf32, #tpu.memory_space<vmem>> -> memref<384xf32, #tpu.memory_space<vmem>>
        %dma_start3A_73 = tpu.memref_slice %arg4[%mul3A_15] : memref<61440xf32, #tpu.memory_space<hbm>> -> memref<384xf32, #tpu.memory_space<hbm>>
        tpu.enqueue_dma source(%dma_start3A_73 : memref<384xf32, #tpu.memory_space<hbm>>) target(%dma_start3A_72 : memref<384xf32, #tpu.memory_space<vmem>>) target_semaphore(%run_scoped3A : memref<!tpu.dma_semaphore, #tpu.memory_space<semaphore_mem>>)
        %dma_wait3A_74 = arith.constant 0 : i32
        %dma_wait3A_75 = tpu.memref_slice %arg8[%dma_wait3A_74] : memref<400xf32, #tpu.memory_space<vmem>> -> memref<384xf32, #tpu.memory_space<vmem>>
        %dma_wait3A_76 = tpu.memref_slice %arg4[%mul3A_15] : memref<61440xf32, #tpu.memory_space<hbm>> -> memref<384xf32, #tpu.memory_space<hbm>>
        %dma_wait3A_77 = arith.constant 0 : i32
        %dma_wait3A_78 = tpu.memref_slice %arg8[%dma_wait3A_77] : memref<400xf32, #tpu.memory_space<vmem>> -> memref<384xf32, #tpu.memory_space<vmem>>
        %dma_wait3A_79 = tpu.memref_slice %arg4[%mul3A_15] : memref<61440xf32, #tpu.memory_space<hbm>> -> memref<384xf32, #tpu.memory_space<hbm>>
        tpu.wait_dma2 semaphore(%run_scoped3A : memref<!tpu.dma_semaphore, #tpu.memory_space<semaphore_mem>>) src(%dma_wait3A_79 : memref<384xf32, #tpu.memory_space<hbm>>) dst(%dma_wait3A_78 : memref<384xf32, #tpu.memory_space<vmem>>)
        tpu.yield
      }) : () -> ()
      "tpu.region"() ({
        %run_scoped3A = tpu.sem_alloc : memref<!tpu.dma_semaphore, #tpu.memory_space<semaphore_mem>>
        %dma_start3A_68 = arith.constant 0 : i32
        %dma_start3A_69 = tpu.memref_slice %arg5[%add3A_11, %dma_start3A_68] : memref<20480x64xf32, #tpu.memory_space<hbm>> -> memref<128x64xf32, #tpu.memory_space<hbm>>
        %dma_start3A_70 = arith.constant 0 : i32
        %dma_start3A_71 = tpu.memref_slice %arg5[%add3A_11, %dma_start3A_70] : memref<20480x64xf32, #tpu.memory_space<hbm>> -> memref<128x64xf32, #tpu.memory_space<hbm>>
        tpu.enqueue_dma source(%dma_start3A_71 : memref<128x64xf32, #tpu.memory_space<hbm>>) target(%arg10 : memref<128x64xf32, #tpu.memory_space<vmem>>) target_semaphore(%run_scoped3A : memref<!tpu.dma_semaphore, #tpu.memory_space<semaphore_mem>>)
        %dma_wait3A_72 = arith.constant 0 : i32
        %dma_wait3A_73 = tpu.memref_slice %arg5[%add3A_11, %dma_wait3A_72] : memref<20480x64xf32, #tpu.memory_space<hbm>> -> memref<128x64xf32, #tpu.memory_space<hbm>>
        %dma_wait3A_74 = arith.constant 0 : i32
        %dma_wait3A_75 = tpu.memref_slice %arg5[%add3A_11, %dma_wait3A_74] : memref<20480x64xf32, #tpu.memory_space<hbm>> -> memref<128x64xf32, #tpu.memory_space<hbm>>
        tpu.wait_dma2 semaphore(%run_scoped3A : memref<!tpu.dma_semaphore, #tpu.memory_space<semaphore_mem>>) src(%dma_wait3A_75 : memref<128x64xf32, #tpu.memory_space<hbm>>) dst(%arg10 : memref<128x64xf32, #tpu.memory_space<vmem>>)
        tpu.yield
      }) : () -> ()
      %dma_start3A = arith.constant 0 : i32
      %dma_start3A_16 = arith.constant 0 : i32
      %dma_start3A_17 = tpu.memref_slice %arg9[%dma_start3A, %dma_start3A_16] : memref<384x128xf32, #tpu.memory_space<vmem>> -> memref<128x128xf32, #tpu.memory_space<vmem>>
      %dma_start3A_18 = arith.constant 0 : i32
      %dma_start3A_19 = tpu.memref_slice %arg7[%dma_start3A_18] : memref<384xi32, #tpu.memory_space<vmem>> -> memref<128xi32, #tpu.memory_space<vmem>>
      %dma_start3A_20 = arith.constant 0 : i32
      %dma_start3A_21 = arith.constant 0 : i32
      %dma_start3A_22 = tpu.memref_slice %arg2[%dma_start3A_20, %dma_start3A_21] : memref<8192x128xf32, #tpu.memory_space<hbm>> -> memref<8192x128xf32, #tpu.memory_space<hbm>>
      tpu.enqueue_indirect_dma source(%dma_start3A_22 : memref<8192x128xf32, #tpu.memory_space<hbm>>) target(%dma_start3A_17 : memref<128x128xf32, #tpu.memory_space<vmem>>) offsets(%dma_start3A_19 : memref<128xi32, #tpu.memory_space<vmem>>) semaphore(%arg11 : memref<!tpu.dma_semaphore, #tpu.memory_space<semaphore_mem>>)
      %dma_start3A_23 = arith.constant 128 : i32
      %dma_start3A_24 = arith.constant 0 : i32
      %dma_start3A_25 = tpu.memref_slice %arg9[%dma_start3A_23, %dma_start3A_24] : memref<384x128xf32, #tpu.memory_space<vmem>> -> memref<128x128xf32, #tpu.memory_space<vmem>>
      %dma_start3A_26 = arith.constant 128 : i32
      %dma_start3A_27 = tpu.memref_slice %arg7[%dma_start3A_26] : memref<384xi32, #tpu.memory_space<vmem>> -> memref<128xi32, #tpu.memory_space<vmem>>
      %dma_start3A_28 = arith.constant 0 : i32
      %dma_start3A_29 = arith.constant 0 : i32
      %dma_start3A_30 = tpu.memref_slice %arg2[%dma_start3A_28, %dma_start3A_29] : memref<8192x128xf32, #tpu.memory_space<hbm>> -> memref<8192x128xf32, #tpu.memory_space<hbm>>
      tpu.enqueue_indirect_dma source(%dma_start3A_30 : memref<8192x128xf32, #tpu.memory_space<hbm>>) target(%dma_start3A_25 : memref<128x128xf32, #tpu.memory_space<vmem>>) offsets(%dma_start3A_27 : memref<128xi32, #tpu.memory_space<vmem>>) semaphore(%arg11 : memref<!tpu.dma_semaphore, #tpu.memory_space<semaphore_mem>>)
      %dma_start3A_31 = arith.constant 256 : i32
      %dma_start3A_32 = arith.constant 0 : i32
      %dma_start3A_33 = tpu.memref_slice %arg9[%dma_start3A_31, %dma_start3A_32] : memref<384x128xf32, #tpu.memory_space<vmem>> -> memref<128x128xf32, #tpu.memory_space<vmem>>
      %dma_start3A_34 = arith.constant 256 : i32
      %dma_start3A_35 = tpu.memref_slice %arg7[%dma_start3A_34] : memref<384xi32, #tpu.memory_space<vmem>> -> memref<128xi32, #tpu.memory_space<vmem>>
      %dma_start3A_36 = arith.constant 0 : i32
      %dma_start3A_37 = arith.constant 0 : i32
      %dma_start3A_38 = tpu.memref_slice %arg2[%dma_start3A_36, %dma_start3A_37] : memref<8192x128xf32, #tpu.memory_space<hbm>> -> memref<8192x128xf32, #tpu.memory_space<hbm>>
      tpu.enqueue_indirect_dma source(%dma_start3A_38 : memref<8192x128xf32, #tpu.memory_space<hbm>>) target(%dma_start3A_33 : memref<128x128xf32, #tpu.memory_space<vmem>>) offsets(%dma_start3A_35 : memref<128xi32, #tpu.memory_space<vmem>>) semaphore(%arg11 : memref<!tpu.dma_semaphore, #tpu.memory_space<semaphore_mem>>)
      %dma_wait3A = arith.constant 0 : i32
      %dma_wait3A_39 = arith.constant 0 : i32
      %dma_wait3A_40 = tpu.memref_slice %arg9[%dma_wait3A, %dma_wait3A_39] : memref<384x128xf32, #tpu.memory_space<vmem>> -> memref<128x128xf32, #tpu.memory_space<vmem>>
      %dma_wait3A_41 = arith.constant 0 : i32
      %dma_wait3A_42 = tpu.memref_slice %arg7[%dma_wait3A_41] : memref<384xi32, #tpu.memory_space<vmem>> -> memref<128xi32, #tpu.memory_space<vmem>>
      %dma_wait3A_43 = arith.constant 0 : i32
      %dma_wait3A_44 = arith.constant 0 : i32
      %dma_wait3A_45 = tpu.memref_slice %arg2[%dma_wait3A_43, %dma_wait3A_44] : memref<8192x128xf32, #tpu.memory_space<hbm>> -> memref<8192x128xf32, #tpu.memory_space<hbm>>
      tpu.wait_indirect_dma semaphore(%arg11 : memref<!tpu.dma_semaphore, #tpu.memory_space<semaphore_mem>>) src(%dma_wait3A_45 : memref<8192x128xf32, #tpu.memory_space<hbm>>) dst(%dma_wait3A_40 : memref<128x128xf32, #tpu.memory_space<vmem>>)
      %dma_wait3A_46 = arith.constant 128 : i32
      %dma_wait3A_47 = arith.constant 0 : i32
      %dma_wait3A_48 = tpu.memref_slice %arg9[%dma_wait3A_46, %dma_wait3A_47] : memref<384x128xf32, #tpu.memory_space<vmem>> -> memref<128x128xf32, #tpu.memory_space<vmem>>
      %dma_wait3A_49 = arith.constant 128 : i32
      %dma_wait3A_50 = tpu.memref_slice %arg7[%dma_wait3A_49] : memref<384xi32, #tpu.memory_space<vmem>> -> memref<128xi32, #tpu.memory_space<vmem>>
      %dma_wait3A_51 = arith.constant 0 : i32
      %dma_wait3A_52 = arith.constant 0 : i32
      %dma_wait3A_53 = tpu.memref_slice %arg2[%dma_wait3A_51, %dma_wait3A_52] : memref<8192x128xf32, #tpu.memory_space<hbm>> -> memref<8192x128xf32, #tpu.memory_space<hbm>>
      tpu.wait_indirect_dma semaphore(%arg11 : memref<!tpu.dma_semaphore, #tpu.memory_space<semaphore_mem>>) src(%dma_wait3A_53 : memref<8192x128xf32, #tpu.memory_space<hbm>>) dst(%dma_wait3A_48 : memref<128x128xf32, #tpu.memory_space<vmem>>)
      %dma_wait3A_54 = arith.constant 256 : i32
      %dma_wait3A_55 = arith.constant 0 : i32
      %dma_wait3A_56 = tpu.memref_slice %arg9[%dma_wait3A_54, %dma_wait3A_55] : memref<384x128xf32, #tpu.memory_space<vmem>> -> memref<128x128xf32, #tpu.memory_space<vmem>>
      %dma_wait3A_57 = arith.constant 256 : i32
      %dma_wait3A_58 = tpu.memref_slice %arg7[%dma_wait3A_57] : memref<384xi32, #tpu.memory_space<vmem>> -> memref<128xi32, #tpu.memory_space<vmem>>
      %dma_wait3A_59 = arith.constant 0 : i32
      %dma_wait3A_60 = arith.constant 0 : i32
      %dma_wait3A_61 = tpu.memref_slice %arg2[%dma_wait3A_59, %dma_wait3A_60] : memref<8192x128xf32, #tpu.memory_space<hbm>> -> memref<8192x128xf32, #tpu.memory_space<hbm>>
      tpu.wait_indirect_dma semaphore(%arg11 : memref<!tpu.dma_semaphore, #tpu.memory_space<semaphore_mem>>) src(%dma_wait3A_61 : memref<8192x128xf32, #tpu.memory_space<hbm>>) dst(%dma_wait3A_56 : memref<128x128xf32, #tpu.memory_space<vmem>>)
      %scan3A_62 = arith.constant 0 : i32
      %scan3A_63 = arith.constant 0 : i32
      %scan3A_64 = arith.constant 128 : i32
      %scan3A_65 = arith.addi %scan3A_63, %scan3A_64 : i32
      %scan3A_66 = arith.constant 2 : i32
      scf.for %scan3A_68 = %scan3A_63 to %scan3A_65 step %scan3A_66  : i32 {
        %mul3A_69 = arith.constant 3 : i32
        %mul3A_70 = arith.muli %scan3A_68, %mul3A_69 : i32
        %get3A = arith.index_cast %mul3A_70 : i32 to index
        %get3A_71 = tpu.vector_load %arg8[%get3A] {strides = array<i32>} : memref<400xf32, #tpu.memory_space<vmem>>, vector<16xf32>,
        %get3A_72 = vector.shape_cast %get3A_71 : vector<16xf32> to vector<16xf32>
        %get3A_73 = arith.index_cast %scan3A_68 : i32 to index
        %get3A_74 = arith.constant 0 : index
        %get3A_75 = tpu.vector_load %arg10[%get3A_73, %get3A_74] {strides = array<i32>} : memref<128x64xf32, #tpu.memory_space<vmem>>, vector<1x16xf32>,
        %get3A_76 = vector.shape_cast %get3A_75 : vector<1x16xf32> to vector<16xf32>
        %slice3A = vector.extract_strided_slice %get3A_72 {offsets = [0], sizes = [1], strides = [1]} : vector<16xf32> to vector<1xf32>
        %squeeze3A = vector.extract %slice3A[0] : f32 from vector<1xf32>
        %mul3A_77 = arith.constant 3 : i32
        %mul3A_78 = arith.muli %scan3A_68, %mul3A_77 : i32
        %add3A_79 = arith.constant 0 : i32
        %add3A_80 = arith.addi %mul3A_78, %add3A_79 : i32
        %get3A_81 = arith.index_cast %add3A_80 : i32 to index
        %get3A_82 = arith.constant 0 : index
        %get3A_83 = tpu.vector_load %arg9[%get3A_81, %get3A_82] {strides = array<i32>} : memref<384x128xf32, #tpu.memory_space<vmem>>, vector<1x16xf32>,
        %get3A_84 = vector.shape_cast %get3A_83 : vector<1x16xf32> to vector<16xf32>
        %mul3A_85 = vector.broadcast %squeeze3A : f32 to vector<16xf32>
        %mul3A_86 = arith.mulf %mul3A_85, %get3A_84 : vector<16xf32>
        %add3A_87 = arith.addf %get3A_76, %mul3A_86 : vector<16xf32>
        %slice3A_88 = vector.extract_strided_slice %get3A_72 {offsets = [1], sizes = [1], strides = [1]} : vector<16xf32> to vector<1xf32>
        %squeeze3A_89 = vector.extract %slice3A_88[0] : f32 from vector<1xf32>
        %mul3A_90 = arith.constant 3 : i32
        %mul3A_91 = arith.muli %scan3A_68, %mul3A_90 : i32
        %add3A_92 = arith.constant 1 : i32
        %add3A_93 = arith.addi %mul3A_91, %add3A_92 : i32
        %get3A_94 = arith.index_cast %add3A_93 : i32 to index
        %get3A_95 = arith.constant 0 : index
        %get3A_96 = tpu.vector_load %arg9[%get3A_94, %get3A_95] {strides = array<i32>} : memref<384x128xf32, #tpu.memory_space<vmem>>, vector<1x16xf32>,
        %get3A_97 = vector.shape_cast %get3A_96 : vector<1x16xf32> to vector<16xf32>
        %mul3A_98 = vector.broadcast %squeeze3A_89 : f32 to vector<16xf32>
        %mul3A_99 = arith.mulf %mul3A_98, %get3A_97 : vector<16xf32>
        %add3A_100 = arith.addf %add3A_87, %mul3A_99 : vector<16xf32>
        %slice3A_101 = vector.extract_strided_slice %get3A_72 {offsets = [2], sizes = [1], strides = [1]} : vector<16xf32> to vector<1xf32>
        %squeeze3A_102 = vector.extract %slice3A_101[0] : f32 from vector<1xf32>
        %mul3A_103 = arith.constant 3 : i32
        %mul3A_104 = arith.muli %scan3A_68, %mul3A_103 : i32
        %add3A_105 = arith.constant 2 : i32
        %add3A_106 = arith.addi %mul3A_104, %add3A_105 : i32
        %get3A_107 = arith.index_cast %add3A_106 : i32 to index
        %get3A_108 = arith.constant 0 : index
        %get3A_109 = tpu.vector_load %arg9[%get3A_107, %get3A_108] {strides = array<i32>} : memref<384x128xf32, #tpu.memory_space<vmem>>, vector<1x16xf32>,
        %get3A_110 = vector.shape_cast %get3A_109 : vector<1x16xf32> to vector<16xf32>
        %mul3A_111 = vector.broadcast %squeeze3A_102 : f32 to vector<16xf32>
        %mul3A_112 = arith.mulf %mul3A_111, %get3A_110 : vector<16xf32>
        %add3A_113 = arith.addf %add3A_100, %mul3A_112 : vector<16xf32>
        %swap3A = arith.index_cast %scan3A_68 : i32 to index
        %swap3A_114 = arith.constant 0 : index
        %swap3A_115 = tpu.vector_load %arg10[%swap3A, %swap3A_114] {strides = array<i32>} : memref<128x64xf32, #tpu.memory_space<vmem>>, vector<1x16xf32>,
        %swap3A_116 = vector.shape_cast %swap3A_115 : vector<1x16xf32> to vector<16xf32>
        %swap3A_117 = vector.shape_cast %add3A_113 : vector<16xf32> to vector<1x16xf32>
        tpu.vector_store %arg10[%swap3A, %swap3A_114], %swap3A_117 {strides = array<i32>} : memref<128x64xf32, #tpu.memory_space<vmem>>, vector<1x16xf32>,
        %get3A_118 = arith.index_cast %scan3A_68 : i32 to index
        %get3A_119 = arith.constant 16 : index
        %get3A_120 = tpu.vector_load %arg10[%get3A_118, %get3A_119] {strides = array<i32>} : memref<128x64xf32, #tpu.memory_space<vmem>>, vector<1x16xf32>,
        %get3A_121 = vector.shape_cast %get3A_120 : vector<1x16xf32> to vector<16xf32>
        %slice3A_122 = vector.extract_strided_slice %get3A_72 {offsets = [0], sizes = [1], strides = [1]} : vector<16xf32> to vector<1xf32>
        %squeeze3A_123 = vector.extract %slice3A_122[0] : f32 from vector<1xf32>
        %mul3A_124 = arith.constant 3 : i32
        %mul3A_125 = arith.muli %scan3A_68, %mul3A_124 : i32
        %add3A_126 = arith.constant 0 : i32
        %add3A_127 = arith.addi %mul3A_125, %add3A_126 : i32
        %get3A_128 = arith.index_cast %add3A_127 : i32 to index
        %get3A_129 = arith.constant 16 : index
        %get3A_130 = tpu.vector_load %arg9[%get3A_128, %get3A_129] {strides = array<i32>} : memref<384x128xf32, #tpu.memory_space<vmem>>, vector<1x16xf32>,
        %get3A_131 = vector.shape_cast %get3A_130 : vector<1x16xf32> to vector<16xf32>
        %mul3A_132 = vector.broadcast %squeeze3A_123 : f32 to vector<16xf32>
        %mul3A_133 = arith.mulf %mul3A_132, %get3A_131 : vector<16xf32>
        %add3A_134 = arith.addf %get3A_121, %mul3A_133 : vector<16xf32>
        %slice3A_135 = vector.extract_strided_slice %get3A_72 {offsets = [1], sizes = [1], strides = [1]} : vector<16xf32> to vector<1xf32>
        %squeeze3A_136 = vector.extract %slice3A_135[0] : f32 from vector<1xf32>
        %mul3A_137 = arith.constant 3 : i32
        %mul3A_138 = arith.muli %scan3A_68, %mul3A_137 : i32
        %add3A_139 = arith.constant 1 : i32
        %add3A_140 = arith.addi %mul3A_138, %add3A_139 : i32
        %get3A_141 = arith.index_cast %add3A_140 : i32 to index
        %get3A_142 = arith.constant 16 : index
        %get3A_143 = tpu.vector_load %arg9[%get3A_141, %get3A_142] {strides = array<i32>} : memref<384x128xf32, #tpu.memory_space<vmem>>, vector<1x16xf32>,
        %get3A_144 = vector.shape_cast %get3A_143 : vector<1x16xf32> to vector<16xf32>
        %mul3A_145 = vector.broadcast %squeeze3A_136 : f32 to vector<16xf32>
        %mul3A_146 = arith.mulf %mul3A_145, %get3A_144 : vector<16xf32>
        %add3A_147 = arith.addf %add3A_134, %mul3A_146 : vector<16xf32>
        %slice3A_148 = vector.extract_strided_slice %get3A_72 {offsets = [2], sizes = [1], strides = [1]} : vector<16xf32> to vector<1xf32>
        %squeeze3A_149 = vector.extract %slice3A_148[0] : f32 from vector<1xf32>
        %mul3A_150 = arith.constant 3 : i32
        %mul3A_151 = arith.muli %scan3A_68, %mul3A_150 : i32
        %add3A_152 = arith.constant 2 : i32
        %add3A_153 = arith.addi %mul3A_151, %add3A_152 : i32
        %get3A_154 = arith.index_cast %add3A_153 : i32 to index
        %get3A_155 = arith.constant 16 : index
        %get3A_156 = tpu.vector_load %arg9[%get3A_154, %get3A_155] {strides = array<i32>} : memref<384x128xf32, #tpu.memory_space<vmem>>, vector<1x16xf32>,
        %get3A_157 = vector.shape_cast %get3A_156 : vector<1x16xf32> to vector<16xf32>
        %mul3A_158 = vector.broadcast %squeeze3A_149 : f32 to vector<16xf32>
        %mul3A_159 = arith.mulf %mul3A_158, %get3A_157 : vector<16xf32>
        %add3A_160 = arith.addf %add3A_147, %mul3A_159 : vector<16xf32>
        %swap3A_161 = arith.index_cast %scan3A_68 : i32 to index
        %swap3A_162 = arith.constant 16 : index
        %swap3A_163 = tpu.vector_load %arg10[%swap3A_161, %swap3A_162] {strides = array<i32>} : memref<128x64xf32, #tpu.memory_space<vmem>>, vector<1x16xf32>,
        %swap3A_164 = vector.shape_cast %swap3A_163 : vector<1x16xf32> to vector<16xf32>
        %swap3A_165 = vector.shape_cast %add3A_160 : vector<16xf32> to vector<1x16xf32>
        tpu.vector_store %arg10[%swap3A_161, %swap3A_162], %swap3A_165 {strides = array<i32>} : memref<128x64xf32, #tpu.memory_space<vmem>>, vector<1x16xf32>,
        %get3A_166 = arith.index_cast %scan3A_68 : i32 to index
        %get3A_167 = arith.constant 32 : index
        %get3A_168 = tpu.vector_load %arg10[%get3A_166, %get3A_167] {strides = array<i32>} : memref<128x64xf32, #tpu.memory_space<vmem>>, vector<1x16xf32>,
        %get3A_169 = vector.shape_cast %get3A_168 : vector<1x16xf32> to vector<16xf32>
        %slice3A_170 = vector.extract_strided_slice %get3A_72 {offsets = [0], sizes = [1], strides = [1]} : vector<16xf32> to vector<1xf32>
        %squeeze3A_171 = vector.extract %slice3A_170[0] : f32 from vector<1xf32>
        %mul3A_172 = arith.constant 3 : i32
        %mul3A_173 = arith.muli %scan3A_68, %mul3A_172 : i32
        %add3A_174 = arith.constant 0 : i32
        %add3A_175 = arith.addi %mul3A_173, %add3A_174 : i32
        %get3A_176 = arith.index_cast %add3A_175 : i32 to index
        %get3A_177 = arith.constant 32 : index
        %get3A_178 = tpu.vector_load %arg9[%get3A_176, %get3A_177] {strides = array<i32>} : memref<384x128xf32, #tpu.memory_space<vmem>>, vector<1x16xf32>,
        %get3A_179 = vector.shape_cast %get3A_178 : vector<1x16xf32> to vector<16xf32>
        %mul3A_180 = vector.broadcast %squeeze3A_171 : f32 to vector<16xf32>
        %mul3A_181 = arith.mulf %mul3A_180, %get3A_179 : vector<16xf32>
        %add3A_182 = arith.addf %get3A_169, %mul3A_181 : vector<16xf32>
        %slice3A_183 = vector.extract_strided_slice %get3A_72 {offsets = [1], sizes = [1], strides = [1]} : vector<16xf32> to vector<1xf32>
        %squeeze3A_184 = vector.extract %slice3A_183[0] : f32 from vector<1xf32>
        %mul3A_185 = arith.constant 3 : i32
        %mul3A_186 = arith.muli %scan3A_68, %mul3A_185 : i32
        %add3A_187 = arith.constant 1 : i32
        %add3A_188 = arith.addi %mul3A_186, %add3A_187 : i32
        %get3A_189 = arith.index_cast %add3A_188 : i32 to index
        %get3A_190 = arith.constant 32 : index
        %get3A_191 = tpu.vector_load %arg9[%get3A_189, %get3A_190] {strides = array<i32>} : memref<384x128xf32, #tpu.memory_space<vmem>>, vector<1x16xf32>,
        %get3A_192 = vector.shape_cast %get3A_191 : vector<1x16xf32> to vector<16xf32>
        %mul3A_193 = vector.broadcast %squeeze3A_184 : f32 to vector<16xf32>
        %mul3A_194 = arith.mulf %mul3A_193, %get3A_192 : vector<16xf32>
        %add3A_195 = arith.addf %add3A_182, %mul3A_194 : vector<16xf32>
        %slice3A_196 = vector.extract_strided_slice %get3A_72 {offsets = [2], sizes = [1], strides = [1]} : vector<16xf32> to vector<1xf32>
        %squeeze3A_197 = vector.extract %slice3A_196[0] : f32 from vector<1xf32>
        %mul3A_198 = arith.constant 3 : i32
        %mul3A_199 = arith.muli %scan3A_68, %mul3A_198 : i32
        %add3A_200 = arith.constant 2 : i32
        %add3A_201 = arith.addi %mul3A_199, %add3A_200 : i32
        %get3A_202 = arith.index_cast %add3A_201 : i32 to index
        %get3A_203 = arith.constant 32 : index
        %get3A_204 = tpu.vector_load %arg9[%get3A_202, %get3A_203] {strides = array<i32>} : memref<384x128xf32, #tpu.memory_space<vmem>>, vector<1x16xf32>,
        %get3A_205 = vector.shape_cast %get3A_204 : vector<1x16xf32> to vector<16xf32>
        %mul3A_206 = vector.broadcast %squeeze3A_197 : f32 to vector<16xf32>
        %mul3A_207 = arith.mulf %mul3A_206, %get3A_205 : vector<16xf32>
        %add3A_208 = arith.addf %add3A_195, %mul3A_207 : vector<16xf32>
        %swap3A_209 = arith.index_cast %scan3A_68 : i32 to index
        %swap3A_210 = arith.constant 32 : index
        %swap3A_211 = tpu.vector_load %arg10[%swap3A_209, %swap3A_210] {strides = array<i32>} : memref<128x64xf32, #tpu.memory_space<vmem>>, vector<1x16xf32>,
        %swap3A_212 = vector.shape_cast %swap3A_211 : vector<1x16xf32> to vector<16xf32>
        %swap3A_213 = vector.shape_cast %add3A_208 : vector<16xf32> to vector<1x16xf32>
        tpu.vector_store %arg10[%swap3A_209, %swap3A_210], %swap3A_213 {strides = array<i32>} : memref<128x64xf32, #tpu.memory_space<vmem>>, vector<1x16xf32>,
        %get3A_214 = arith.index_cast %scan3A_68 : i32 to index
        %get3A_215 = arith.constant 48 : index
        %get3A_216 = tpu.vector_load %arg10[%get3A_214, %get3A_215] {strides = array<i32>} : memref<128x64xf32, #tpu.memory_space<vmem>>, vector<1x16xf32>,
        %get3A_217 = vector.shape_cast %get3A_216 : vector<1x16xf32> to vector<16xf32>
        %slice3A_218 = vector.extract_strided_slice %get3A_72 {offsets = [0], sizes = [1], strides = [1]} : vector<16xf32> to vector<1xf32>
        %squeeze3A_219 = vector.extract %slice3A_218[0] : f32 from vector<1xf32>
        %mul3A_220 = arith.constant 3 : i32
        %mul3A_221 = arith.muli %scan3A_68, %mul3A_220 : i32
        %add3A_222 = arith.constant 0 : i32
        %add3A_223 = arith.addi %mul3A_221, %add3A_222 : i32
        %get3A_224 = arith.index_cast %add3A_223 : i32 to index
        %get3A_225 = arith.constant 48 : index
        %get3A_226 = tpu.vector_load %arg9[%get3A_224, %get3A_225] {strides = array<i32>} : memref<384x128xf32, #tpu.memory_space<vmem>>, vector<1x16xf32>,
        %get3A_227 = vector.shape_cast %get3A_226 : vector<1x16xf32> to vector<16xf32>
        %mul3A_228 = vector.broadcast %squeeze3A_219 : f32 to vector<16xf32>
        %mul3A_229 = arith.mulf %mul3A_228, %get3A_227 : vector<16xf32>
        %add3A_230 = arith.addf %get3A_217, %mul3A_229 : vector<16xf32>
        %slice3A_231 = vector.extract_strided_slice %get3A_72 {offsets = [1], sizes = [1], strides = [1]} : vector<16xf32> to vector<1xf32>
        %squeeze3A_232 = vector.extract %slice3A_231[0] : f32 from vector<1xf32>
        %mul3A_233 = arith.constant 3 : i32
        %mul3A_234 = arith.muli %scan3A_68, %mul3A_233 : i32
        %add3A_235 = arith.constant 1 : i32
        %add3A_236 = arith.addi %mul3A_234, %add3A_235 : i32
        %get3A_237 = arith.index_cast %add3A_236 : i32 to index
        %get3A_238 = arith.constant 48 : index
        %get3A_239 = tpu.vector_load %arg9[%get3A_237, %get3A_238] {strides = array<i32>} : memref<384x128xf32, #tpu.memory_space<vmem>>, vector<1x16xf32>,
        %get3A_240 = vector.shape_cast %get3A_239 : vector<1x16xf32> to vector<16xf32>
        %mul3A_241 = vector.broadcast %squeeze3A_232 : f32 to vector<16xf32>
        %mul3A_242 = arith.mulf %mul3A_241, %get3A_240 : vector<16xf32>
        %add3A_243 = arith.addf %add3A_230, %mul3A_242 : vector<16xf32>
        %slice3A_244 = vector.extract_strided_slice %get3A_72 {offsets = [2], sizes = [1], strides = [1]} : vector<16xf32> to vector<1xf32>
        %squeeze3A_245 = vector.extract %slice3A_244[0] : f32 from vector<1xf32>
        %mul3A_246 = arith.constant 3 : i32
        %mul3A_247 = arith.muli %scan3A_68, %mul3A_246 : i32
        %add3A_248 = arith.constant 2 : i32
        %add3A_249 = arith.addi %mul3A_247, %add3A_248 : i32
        %get3A_250 = arith.index_cast %add3A_249 : i32 to index
        %get3A_251 = arith.constant 48 : index
        %get3A_252 = tpu.vector_load %arg9[%get3A_250, %get3A_251] {strides = array<i32>} : memref<384x128xf32, #tpu.memory_space<vmem>>, vector<1x16xf32>,
        %get3A_253 = vector.shape_cast %get3A_252 : vector<1x16xf32> to vector<16xf32>
        %mul3A_254 = vector.broadcast %squeeze3A_245 : f32 to vector<16xf32>
        %mul3A_255 = arith.mulf %mul3A_254, %get3A_253 : vector<16xf32>
        %add3A_256 = arith.addf %add3A_243, %mul3A_255 : vector<16xf32>
        %swap3A_257 = arith.index_cast %scan3A_68 : i32 to index
        %swap3A_258 = arith.constant 48 : index
        %swap3A_259 = tpu.vector_load %arg10[%swap3A_257, %swap3A_258] {strides = array<i32>} : memref<128x64xf32, #tpu.memory_space<vmem>>, vector<1x16xf32>,
        %swap3A_260 = vector.shape_cast %swap3A_259 : vector<1x16xf32> to vector<16xf32>
        %swap3A_261 = vector.shape_cast %add3A_256 : vector<16xf32> to vector<1x16xf32>
        tpu.vector_store %arg10[%swap3A_257, %swap3A_258], %swap3A_261 {strides = array<i32>} : memref<128x64xf32, #tpu.memory_space<vmem>>, vector<1x16xf32>,
        %scan3A_262 = arith.constant 1 : i32
        %scan3A_263 = arith.addi %scan3A_68, %scan3A_262 : i32
        %mul3A_264 = arith.constant 3 : i32
        %mul3A_265 = arith.muli %scan3A_263, %mul3A_264 : i32
        %get3A_266 = arith.index_cast %mul3A_265 : i32 to index
        %get3A_267 = tpu.vector_load %arg8[%get3A_266] {strides = array<i32>} : memref<400xf32, #tpu.memory_space<vmem>>, vector<16xf32>,
        %get3A_268 = vector.shape_cast %get3A_267 : vector<16xf32> to vector<16xf32>
        %get3A_269 = arith.index_cast %scan3A_263 : i32 to index
        %get3A_270 = arith.constant 0 : index
        %get3A_271 = tpu.vector_load %arg10[%get3A_269, %get3A_270] {strides = array<i32>} : memref<128x64xf32, #tpu.memory_space<vmem>>, vector<1x16xf32>,
        %get3A_272 = vector.shape_cast %get3A_271 : vector<1x16xf32> to vector<16xf32>
        %slice3A_273 = vector.extract_strided_slice %get3A_268 {offsets = [0], sizes = [1], strides = [1]} : vector<16xf32> to vector<1xf32>
        %squeeze3A_274 = vector.extract %slice3A_273[0] : f32 from vector<1xf32>
        %mul3A_275 = arith.constant 3 : i32
        %mul3A_276 = arith.muli %scan3A_263, %mul3A_275 : i32
        %add3A_277 = arith.constant 0 : i32
        %add3A_278 = arith.addi %mul3A_276, %add3A_277 : i32
        %get3A_279 = arith.index_cast %add3A_278 : i32 to index
        %get3A_280 = arith.constant 0 : index
        %get3A_281 = tpu.vector_load %arg9[%get3A_279, %get3A_280] {strides = array<i32>} : memref<384x128xf32, #tpu.memory_space<vmem>>, vector<1x16xf32>,
        %get3A_282 = vector.shape_cast %get3A_281 : vector<1x16xf32> to vector<16xf32>
        %mul3A_283 = vector.broadcast %squeeze3A_274 : f32 to vector<16xf32>
        %mul3A_284 = arith.mulf %mul3A_283, %get3A_282 : vector<16xf32>
        %add3A_285 = arith.addf %get3A_272, %mul3A_284 : vector<16xf32>
        %slice3A_286 = vector.extract_strided_slice %get3A_268 {offsets = [1], sizes = [1], strides = [1]} : vector<16xf32> to vector<1xf32>
        %squeeze3A_287 = vector.extract %slice3A_286[0] : f32 from vector<1xf32>
        %mul3A_288 = arith.constant 3 : i32
        %mul3A_289 = arith.muli %scan3A_263, %mul3A_288 : i32
        %add3A_290 = arith.constant 1 : i32
        %add3A_291 = arith.addi %mul3A_289, %add3A_290 : i32
        %get3A_292 = arith.index_cast %add3A_291 : i32 to index
        %get3A_293 = arith.constant 0 : index
        %get3A_294 = tpu.vector_load %arg9[%get3A_292, %get3A_293] {strides = array<i32>} : memref<384x128xf32, #tpu.memory_space<vmem>>, vector<1x16xf32>,
        %get3A_295 = vector.shape_cast %get3A_294 : vector<1x16xf32> to vector<16xf32>
        %mul3A_296 = vector.broadcast %squeeze3A_287 : f32 to vector<16xf32>
        %mul3A_297 = arith.mulf %mul3A_296, %get3A_295 : vector<16xf32>
        %add3A_298 = arith.addf %add3A_285, %mul3A_297 : vector<16xf32>
        %slice3A_299 = vector.extract_strided_slice %get3A_268 {offsets = [2], sizes = [1], strides = [1]} : vector<16xf32> to vector<1xf32>
        %squeeze3A_300 = vector.extract %slice3A_299[0] : f32 from vector<1xf32>
        %mul3A_301 = arith.constant 3 : i32
        %mul3A_302 = arith.muli %scan3A_263, %mul3A_301 : i32
        %add3A_303 = arith.constant 2 : i32
        %add3A_304 = arith.addi %mul3A_302, %add3A_303 : i32
        %get3A_305 = arith.index_cast %add3A_304 : i32 to index
        %get3A_306 = arith.constant 0 : index
        %get3A_307 = tpu.vector_load %arg9[%get3A_305, %get3A_306] {strides = array<i32>} : memref<384x128xf32, #tpu.memory_space<vmem>>, vector<1x16xf32>,
        %get3A_308 = vector.shape_cast %get3A_307 : vector<1x16xf32> to vector<16xf32>
        %mul3A_309 = vector.broadcast %squeeze3A_300 : f32 to vector<16xf32>
        %mul3A_310 = arith.mulf %mul3A_309, %get3A_308 : vector<16xf32>
        %add3A_311 = arith.addf %add3A_298, %mul3A_310 : vector<16xf32>
        %swap3A_312 = arith.index_cast %scan3A_263 : i32 to index
        %swap3A_313 = arith.constant 0 : index
        %swap3A_314 = tpu.vector_load %arg10[%swap3A_312, %swap3A_313] {strides = array<i32>} : memref<128x64xf32, #tpu.memory_space<vmem>>, vector<1x16xf32>,
        %swap3A_315 = vector.shape_cast %swap3A_314 : vector<1x16xf32> to vector<16xf32>
        %swap3A_316 = vector.shape_cast %add3A_311 : vector<16xf32> to vector<1x16xf32>
        tpu.vector_store %arg10[%swap3A_312, %swap3A_313], %swap3A_316 {strides = array<i32>} : memref<128x64xf32, #tpu.memory_space<vmem>>, vector<1x16xf32>,
        %get3A_317 = arith.index_cast %scan3A_263 : i32 to index
        %get3A_318 = arith.constant 16 : index
        %get3A_319 = tpu.vector_load %arg10[%get3A_317, %get3A_318] {strides = array<i32>} : memref<128x64xf32, #tpu.memory_space<vmem>>, vector<1x16xf32>,
        %get3A_320 = vector.shape_cast %get3A_319 : vector<1x16xf32> to vector<16xf32>
        %slice3A_321 = vector.extract_strided_slice %get3A_268 {offsets = [0], sizes = [1], strides = [1]} : vector<16xf32> to vector<1xf32>
        %squeeze3A_322 = vector.extract %slice3A_321[0] : f32 from vector<1xf32>
        %mul3A_323 = arith.constant 3 : i32
        %mul3A_324 = arith.muli %scan3A_263, %mul3A_323 : i32
        %add3A_325 = arith.constant 0 : i32
        %add3A_326 = arith.addi %mul3A_324, %add3A_325 : i32
        %get3A_327 = arith.index_cast %add3A_326 : i32 to index
        %get3A_328 = arith.constant 16 : index
        %get3A_329 = tpu.vector_load %arg9[%get3A_327, %get3A_328] {strides = array<i32>} : memref<384x128xf32, #tpu.memory_space<vmem>>, vector<1x16xf32>,
        %get3A_330 = vector.shape_cast %get3A_329 : vector<1x16xf32> to vector<16xf32>
        %mul3A_331 = vector.broadcast %squeeze3A_322 : f32 to vector<16xf32>
        %mul3A_332 = arith.mulf %mul3A_331, %get3A_330 : vector<16xf32>
        %add3A_333 = arith.addf %get3A_320, %mul3A_332 : vector<16xf32>
        %slice3A_334 = vector.extract_strided_slice %get3A_268 {offsets = [1], sizes = [1], strides = [1]} : vector<16xf32> to vector<1xf32>
        %squeeze3A_335 = vector.extract %slice3A_334[0] : f32 from vector<1xf32>
        %mul3A_336 = arith.constant 3 : i32
        %mul3A_337 = arith.muli %scan3A_263, %mul3A_336 : i32
        %add3A_338 = arith.constant 1 : i32
        %add3A_339 = arith.addi %mul3A_337, %add3A_338 : i32
        %get3A_340 = arith.index_cast %add3A_339 : i32 to index
        %get3A_341 = arith.constant 16 : index
        %get3A_342 = tpu.vector_load %arg9[%get3A_340, %get3A_341] {strides = array<i32>} : memref<384x128xf32, #tpu.memory_space<vmem>>, vector<1x16xf32>,
        %get3A_343 = vector.shape_cast %get3A_342 : vector<1x16xf32> to vector<16xf32>
        %mul3A_344 = vector.broadcast %squeeze3A_335 : f32 to vector<16xf32>
        %mul3A_345 = arith.mulf %mul3A_344, %get3A_343 : vector<16xf32>
        %add3A_346 = arith.addf %add3A_333, %mul3A_345 : vector<16xf32>
        %slice3A_347 = vector.extract_strided_slice %get3A_268 {offsets = [2], sizes = [1], strides = [1]} : vector<16xf32> to vector<1xf32>
        %squeeze3A_348 = vector.extract %slice3A_347[0] : f32 from vector<1xf32>
        %mul3A_349 = arith.constant 3 : i32
        %mul3A_350 = arith.muli %scan3A_263, %mul3A_349 : i32
        %add3A_351 = arith.constant 2 : i32
        %add3A_352 = arith.addi %mul3A_350, %add3A_351 : i32
        %get3A_353 = arith.index_cast %add3A_352 : i32 to index
        %get3A_354 = arith.constant 16 : index
        %get3A_355 = tpu.vector_load %arg9[%get3A_353, %get3A_354] {strides = array<i32>} : memref<384x128xf32, #tpu.memory_space<vmem>>, vector<1x16xf32>,
        %get3A_356 = vector.shape_cast %get3A_355 : vector<1x16xf32> to vector<16xf32>
        %mul3A_357 = vector.broadcast %squeeze3A_348 : f32 to vector<16xf32>
        %mul3A_358 = arith.mulf %mul3A_357, %get3A_356 : vector<16xf32>
        %add3A_359 = arith.addf %add3A_346, %mul3A_358 : vector<16xf32>
        %swap3A_360 = arith.index_cast %scan3A_263 : i32 to index
        %swap3A_361 = arith.constant 16 : index
        %swap3A_362 = tpu.vector_load %arg10[%swap3A_360, %swap3A_361] {strides = array<i32>} : memref<128x64xf32, #tpu.memory_space<vmem>>, vector<1x16xf32>,
        %swap3A_363 = vector.shape_cast %swap3A_362 : vector<1x16xf32> to vector<16xf32>
        %swap3A_364 = vector.shape_cast %add3A_359 : vector<16xf32> to vector<1x16xf32>
        tpu.vector_store %arg10[%swap3A_360, %swap3A_361], %swap3A_364 {strides = array<i32>} : memref<128x64xf32, #tpu.memory_space<vmem>>, vector<1x16xf32>,
        %get3A_365 = arith.index_cast %scan3A_263 : i32 to index
        %get3A_366 = arith.constant 32 : index
        %get3A_367 = tpu.vector_load %arg10[%get3A_365, %get3A_366] {strides = array<i32>} : memref<128x64xf32, #tpu.memory_space<vmem>>, vector<1x16xf32>,
        %get3A_368 = vector.shape_cast %get3A_367 : vector<1x16xf32> to vector<16xf32>
        %slice3A_369 = vector.extract_strided_slice %get3A_268 {offsets = [0], sizes = [1], strides = [1]} : vector<16xf32> to vector<1xf32>
        %squeeze3A_370 = vector.extract %slice3A_369[0] : f32 from vector<1xf32>
        %mul3A_371 = arith.constant 3 : i32
        %mul3A_372 = arith.muli %scan3A_263, %mul3A_371 : i32
        %add3A_373 = arith.constant 0 : i32
        %add3A_374 = arith.addi %mul3A_372, %add3A_373 : i32
        %get3A_375 = arith.index_cast %add3A_374 : i32 to index
        %get3A_376 = arith.constant 32 : index
        %get3A_377 = tpu.vector_load %arg9[%get3A_375, %get3A_376] {strides = array<i32>} : memref<384x128xf32, #tpu.memory_space<vmem>>, vector<1x16xf32>,
        %get3A_378 = vector.shape_cast %get3A_377 : vector<1x16xf32> to vector<16xf32>
        %mul3A_379 = vector.broadcast %squeeze3A_370 : f32 to vector<16xf32>
        %mul3A_380 = arith.mulf %mul3A_379, %get3A_378 : vector<16xf32>
        %add3A_381 = arith.addf %get3A_368, %mul3A_380 : vector<16xf32>
        %slice3A_382 = vector.extract_strided_slice %get3A_268 {offsets = [1], sizes = [1], strides = [1]} : vector<16xf32> to vector<1xf32>
        %squeeze3A_383 = vector.extract %slice3A_382[0] : f32 from vector<1xf32>
        %mul3A_384 = arith.constant 3 : i32
        %mul3A_385 = arith.muli %scan3A_263, %mul3A_384 : i32
        %add3A_386 = arith.constant 1 : i32
        %add3A_387 = arith.addi %mul3A_385, %add3A_386 : i32
        %get3A_388 = arith.index_cast %add3A_387 : i32 to index
        %get3A_389 = arith.constant 32 : index
        %get3A_390 = tpu.vector_load %arg9[%get3A_388, %get3A_389] {strides = array<i32>} : memref<384x128xf32, #tpu.memory_space<vmem>>, vector<1x16xf32>,
        %get3A_391 = vector.shape_cast %get3A_390 : vector<1x16xf32> to vector<16xf32>
        %mul3A_392 = vector.broadcast %squeeze3A_383 : f32 to vector<16xf32>
        %mul3A_393 = arith.mulf %mul3A_392, %get3A_391 : vector<16xf32>
        %add3A_394 = arith.addf %add3A_381, %mul3A_393 : vector<16xf32>
        %slice3A_395 = vector.extract_strided_slice %get3A_268 {offsets = [2], sizes = [1], strides = [1]} : vector<16xf32> to vector<1xf32>
        %squeeze3A_396 = vector.extract %slice3A_395[0] : f32 from vector<1xf32>
        %mul3A_397 = arith.constant 3 : i32
        %mul3A_398 = arith.muli %scan3A_263, %mul3A_397 : i32
        %add3A_399 = arith.constant 2 : i32
        %add3A_400 = arith.addi %mul3A_398, %add3A_399 : i32
        %get3A_401 = arith.index_cast %add3A_400 : i32 to index
        %get3A_402 = arith.constant 32 : index
        %get3A_403 = tpu.vector_load %arg9[%get3A_401, %get3A_402] {strides = array<i32>} : memref<384x128xf32, #tpu.memory_space<vmem>>, vector<1x16xf32>,
        %get3A_404 = vector.shape_cast %get3A_403 : vector<1x16xf32> to vector<16xf32>
        %mul3A_405 = vector.broadcast %squeeze3A_396 : f32 to vector<16xf32>
        %mul3A_406 = arith.mulf %mul3A_405, %get3A_404 : vector<16xf32>
        %add3A_407 = arith.addf %add3A_394, %mul3A_406 : vector<16xf32>
        %swap3A_408 = arith.index_cast %scan3A_263 : i32 to index
        %swap3A_409 = arith.constant 32 : index
        %swap3A_410 = tpu.vector_load %arg10[%swap3A_408, %swap3A_409] {strides = array<i32>} : memref<128x64xf32, #tpu.memory_space<vmem>>, vector<1x16xf32>,
        %swap3A_411 = vector.shape_cast %swap3A_410 : vector<1x16xf32> to vector<16xf32>
        %swap3A_412 = vector.shape_cast %add3A_407 : vector<16xf32> to vector<1x16xf32>
        tpu.vector_store %arg10[%swap3A_408, %swap3A_409], %swap3A_412 {strides = array<i32>} : memref<128x64xf32, #tpu.memory_space<vmem>>, vector<1x16xf32>,
        %get3A_413 = arith.index_cast %scan3A_263 : i32 to index
        %get3A_414 = arith.constant 48 : index
        %get3A_415 = tpu.vector_load %arg10[%get3A_413, %get3A_414] {strides = array<i32>} : memref<128x64xf32, #tpu.memory_space<vmem>>, vector<1x16xf32>,
        %get3A_416 = vector.shape_cast %get3A_415 : vector<1x16xf32> to vector<16xf32>
        %slice3A_417 = vector.extract_strided_slice %get3A_268 {offsets = [0], sizes = [1], strides = [1]} : vector<16xf32> to vector<1xf32>
        %squeeze3A_418 = vector.extract %slice3A_417[0] : f32 from vector<1xf32>
        %mul3A_419 = arith.constant 3 : i32
        %mul3A_420 = arith.muli %scan3A_263, %mul3A_419 : i32
        %add3A_421 = arith.constant 0 : i32
        %add3A_422 = arith.addi %mul3A_420, %add3A_421 : i32
        %get3A_423 = arith.index_cast %add3A_422 : i32 to index
        %get3A_424 = arith.constant 48 : index
        %get3A_425 = tpu.vector_load %arg9[%get3A_423, %get3A_424] {strides = array<i32>} : memref<384x128xf32, #tpu.memory_space<vmem>>, vector<1x16xf32>,
        %get3A_426 = vector.shape_cast %get3A_425 : vector<1x16xf32> to vector<16xf32>
        %mul3A_427 = vector.broadcast %squeeze3A_418 : f32 to vector<16xf32>
        %mul3A_428 = arith.mulf %mul3A_427, %get3A_426 : vector<16xf32>
        %add3A_429 = arith.addf %get3A_416, %mul3A_428 : vector<16xf32>
        %slice3A_430 = vector.extract_strided_slice %get3A_268 {offsets = [1], sizes = [1], strides = [1]} : vector<16xf32> to vector<1xf32>
        %squeeze3A_431 = vector.extract %slice3A_430[0] : f32 from vector<1xf32>
        %mul3A_432 = arith.constant 3 : i32
        %mul3A_433 = arith.muli %scan3A_263, %mul3A_432 : i32
        %add3A_434 = arith.constant 1 : i32
        %add3A_435 = arith.addi %mul3A_433, %add3A_434 : i32
        %get3A_436 = arith.index_cast %add3A_435 : i32 to index
        %get3A_437 = arith.constant 48 : index
        %get3A_438 = tpu.vector_load %arg9[%get3A_436, %get3A_437] {strides = array<i32>} : memref<384x128xf32, #tpu.memory_space<vmem>>, vector<1x16xf32>,
        %get3A_439 = vector.shape_cast %get3A_438 : vector<1x16xf32> to vector<16xf32>
        %mul3A_440 = vector.broadcast %squeeze3A_431 : f32 to vector<16xf32>
        %mul3A_441 = arith.mulf %mul3A_440, %get3A_439 : vector<16xf32>
        %add3A_442 = arith.addf %add3A_429, %mul3A_441 : vector<16xf32>
        %slice3A_443 = vector.extract_strided_slice %get3A_268 {offsets = [2], sizes = [1], strides = [1]} : vector<16xf32> to vector<1xf32>
        %squeeze3A_444 = vector.extract %slice3A_443[0] : f32 from vector<1xf32>
        %mul3A_445 = arith.constant 3 : i32
        %mul3A_446 = arith.muli %scan3A_263, %mul3A_445 : i32
        %add3A_447 = arith.constant 2 : i32
        %add3A_448 = arith.addi %mul3A_446, %add3A_447 : i32
        %get3A_449 = arith.index_cast %add3A_448 : i32 to index
        %get3A_450 = arith.constant 48 : index
        %get3A_451 = tpu.vector_load %arg9[%get3A_449, %get3A_450] {strides = array<i32>} : memref<384x128xf32, #tpu.memory_space<vmem>>, vector<1x16xf32>,
        %get3A_452 = vector.shape_cast %get3A_451 : vector<1x16xf32> to vector<16xf32>
        %mul3A_453 = vector.broadcast %squeeze3A_444 : f32 to vector<16xf32>
        %mul3A_454 = arith.mulf %mul3A_453, %get3A_452 : vector<16xf32>
        %add3A_455 = arith.addf %add3A_442, %mul3A_454 : vector<16xf32>
        %swap3A_456 = arith.index_cast %scan3A_263 : i32 to index
        %swap3A_457 = arith.constant 48 : index
        %swap3A_458 = tpu.vector_load %arg10[%swap3A_456, %swap3A_457] {strides = array<i32>} : memref<128x64xf32, #tpu.memory_space<vmem>>, vector<1x16xf32>,
        %swap3A_459 = vector.shape_cast %swap3A_458 : vector<1x16xf32> to vector<16xf32>
        %swap3A_460 = vector.shape_cast %add3A_455 : vector<16xf32> to vector<1x16xf32>
        tpu.vector_store %arg10[%swap3A_456, %swap3A_457], %swap3A_460 {strides = array<i32>} : memref<128x64xf32, #tpu.memory_space<vmem>>, vector<1x16xf32>,
      }
      %scan3A_67 = arith.constant 128 : i32
      "tpu.region"() ({
        %run_scoped3A = tpu.sem_alloc : memref<!tpu.dma_semaphore, #tpu.memory_space<semaphore_mem>>
        %dma_start3A_68 = arith.constant 0 : i32
        %dma_start3A_69 = tpu.memref_slice %arg6[%add3A_11, %dma_start3A_68] : memref<20480x64xf32, #tpu.memory_space<hbm>> -> memref<128x64xf32, #tpu.memory_space<hbm>>
        %dma_start3A_70 = arith.constant 0 : i32
        %dma_start3A_71 = tpu.memref_slice %arg6[%add3A_11, %dma_start3A_70] : memref<20480x64xf32, #tpu.memory_space<hbm>> -> memref<128x64xf32, #tpu.memory_space<hbm>>
        tpu.enqueue_dma source(%arg10 : memref<128x64xf32, #tpu.memory_space<vmem>>) target(%dma_start3A_71 : memref<128x64xf32, #tpu.memory_space<hbm>>) target_semaphore(%run_scoped3A : memref<!tpu.dma_semaphore, #tpu.memory_space<semaphore_mem>>)
        %dma_wait3A_72 = arith.constant 0 : i32
        %dma_wait3A_73 = tpu.memref_slice %arg6[%add3A_11, %dma_wait3A_72] : memref<20480x64xf32, #tpu.memory_space<hbm>> -> memref<128x64xf32, #tpu.memory_space<hbm>>
        %dma_wait3A_74 = arith.constant 0 : i32
        %dma_wait3A_75 = tpu.memref_slice %arg6[%add3A_11, %dma_wait3A_74] : memref<20480x64xf32, #tpu.memory_space<hbm>> -> memref<128x64xf32, #tpu.memory_space<hbm>>
        tpu.wait_dma2 semaphore(%run_scoped3A : memref<!tpu.dma_semaphore, #tpu.memory_space<semaphore_mem>>) src(%arg10 : memref<128x64xf32, #tpu.memory_space<vmem>>) dst(%dma_wait3A_75 : memref<128x64xf32, #tpu.memory_space<hbm>>)
        tpu.yield
      }) : () -> ()
    }
    %scan3A_7 = arith.constant 5 : i32
    return
  }
}

module attributes {stable_mosaic.version = 14 : i64} {
  func.func @_stats1_kernel(%arg0: i32, %arg1: memref<4096x64xf32, #tpu.memory_space<vmem>>, %arg2: memref<64x64xf32, #tpu.memory_space<vmem>>, %arg3: memref<1x64xf32, #tpu.memory_space<vmem>>, %arg4: memref<2x64xf32, #tpu.memory_space<vmem>>) attributes {dimension_semantics = [#tpu.dimension_semantics<arbitrary>], iteration_bounds = array<i64: 8>, scalar_prefetch = 0 : i64, scratch_operands = 0 : i64, tpu.core_type = #tpu.core_type<tc>, window_params = [{transform_indices = @transform_0, window_bounds = array<i64: 4096, 64>}, {pipeline_mode = #tpu.pipeline_mode<synchronous>, transform_indices = @transform_1, window_bounds = array<i64: 64, 64>}, {pipeline_mode = #tpu.pipeline_mode<synchronous>, transform_indices = @transform_2, window_bounds = array<i64: 1, 64>}, {pipeline_mode = #tpu.pipeline_mode<synchronous>, transform_indices = @transform_3, window_bounds = array<i64: 2, 64>}]} {
    %get3A = arith.constant 0 : index
    %get3A_0 = arith.constant 0 : index
    %get3A_1 = vector.load %arg1[%get3A, %get3A_0] : memref<4096x64xf32, #tpu.memory_space<vmem>>, vector<4096x64xf32>
    %get3A_2 = arith.constant 0 : index
    %get3A_3 = arith.constant 0 : index
    %get3A_4 = vector.load %arg2[%get3A_2, %get3A_3] : memref<64x64xf32, #tpu.memory_space<vmem>>, vector<64x64xf32>
    %transpose3A = tpu.transpose %get3A_4, [1, 0] : vector<64x64xf32> -> vector<64x64xf32>
    %dot_general3A = arith.constant dense<0.000000e+00> : vector<4096x64xf32>
    %dot_general3A_5 = tpu.matmul %get3A_1, %transpose3A, %dot_general3A {dimension_numbers = #tpu.dot_dimension_numbers<[1], [0], [0], [1], [0, 0, 1, 1], [], []>, transpose_lhs_hint = false} : vector<4096x64xf32>, vector<64x64xf32>, vector<4096x64xf32> -> vector<4096x64xf32>
    %get3A_6 = arith.constant 0 : index
    %get3A_7 = arith.constant 0 : index
    %get3A_8 = vector.load %arg3[%get3A_6, %get3A_7] : memref<1x64xf32, #tpu.memory_space<vmem>>, vector<1x64xf32>
    %add3A = vector.broadcast %get3A_8 : vector<1x64xf32> to vector<4096x64xf32>
    %add3A_9 = arith.addf %dot_general3A_5, %add3A : vector<4096x64xf32>
    %reduce_sum3A = arith.constant dense<0.000000e+00> : vector<64xf32>
    %reduce_sum3A_10 = vector.multi_reduction <add>, %add3A_9, %reduce_sum3A [0] : vector<4096x64xf32> to vector<64xf32>
    %broadcast_in_dim3A = vector.shape_cast %reduce_sum3A_10 : vector<64xf32> to vector<1x64xf32>
    %mul3A = arith.mulf %add3A_9, %add3A_9 : vector<4096x64xf32>
    %reduce_sum3A_11 = arith.constant dense<0.000000e+00> : vector<64xf32>
    %reduce_sum3A_12 = vector.multi_reduction <add>, %mul3A, %reduce_sum3A_11 [0] : vector<4096x64xf32> to vector<64xf32>
    %broadcast_in_dim3A_13 = vector.shape_cast %reduce_sum3A_12 : vector<64xf32> to vector<1x64xf32>
    %concatenate3A = tpu.concatenate %broadcast_in_dim3A, %broadcast_in_dim3A_13 in 0 : vector<1x64xf32>, vector<1x64xf32> -> vector<2x64xf32>
    %eq3A = arith.constant 0 : i32
    %eq3A_14 = arith.cmpi eq, %arg0, %eq3A : i32
    %convert_element_type3A = arith.extui %eq3A_14 : i1 to i32
    %cond3A = arith.constant 0 : i32
    %cond3A_15 = arith.cmpi ne, %convert_element_type3A, %cond3A : i32
    scf.if %cond3A_15 {
      %swap3A = arith.constant 0 : index
      %swap3A_20 = arith.constant 0 : index
      %swap3A_21 = vector.load %arg4[%swap3A, %swap3A_20] : memref<2x64xf32, #tpu.memory_space<vmem>>, vector<2x64xf32>
      tpu.vector_store %arg4[%swap3A, %swap3A_20], %concatenate3A {strides = array<i32>} : memref<2x64xf32, #tpu.memory_space<vmem>>, vector<2x64xf32>,
    } else {
    }
    %gt3A = arith.constant 0 : i32
    %gt3A_16 = arith.cmpi sgt, %arg0, %gt3A : i32
    %convert_element_type3A_17 = arith.extui %gt3A_16 : i1 to i32
    %cond3A_18 = arith.constant 0 : i32
    %cond3A_19 = arith.cmpi ne, %convert_element_type3A_17, %cond3A_18 : i32
    scf.if %cond3A_19 {
      %get3A_20 = arith.constant 0 : index
      %get3A_21 = arith.constant 0 : index
      %get3A_22 = vector.load %arg4[%get3A_20, %get3A_21] : memref<2x64xf32, #tpu.memory_space<vmem>>, vector<2x64xf32>
      %add3A_23 = arith.addf %get3A_22, %concatenate3A : vector<2x64xf32>
      %swap3A = arith.constant 0 : index
      %swap3A_24 = arith.constant 0 : index
      %swap3A_25 = vector.load %arg4[%swap3A, %swap3A_24] : memref<2x64xf32, #tpu.memory_space<vmem>>, vector<2x64xf32>
      tpu.vector_store %arg4[%swap3A, %swap3A_24], %add3A_23 {strides = array<i32>} : memref<2x64xf32, #tpu.memory_space<vmem>>, vector<2x64xf32>,
    } else {
    }
    return
  }
  func.func @transform_0(%arg0: i32) -> (i32, i32) {
    %c0_i32 = arith.constant 0 : i32
    %c0_i32_0 = arith.constant 0 : i32
    return %arg0, %c0_i32 : i32, i32
  }
  func.func @transform_1(%arg0: i32) -> (i32, i32) {
    %c0_i32 = arith.constant 0 : i32
    %c0_i32_0 = arith.constant 0 : i32
    %c0_i32_1 = arith.constant 0 : i32
    return %c0_i32, %c0_i32_0 : i32, i32
  }
  func.func @transform_2(%arg0: i32) -> (i32, i32) {
    %c0_i32 = arith.constant 0 : i32
    %c0_i32_0 = arith.constant 0 : i32
    %c0_i32_1 = arith.constant 0 : i32
    return %c0_i32, %c0_i32_0 : i32, i32
  }
  func.func @transform_3(%arg0: i32) -> (i32, i32) {
    %c0_i32 = arith.constant 0 : i32
    %c0_i32_0 = arith.constant 0 : i32
    %c0_i32_1 = arith.constant 0 : i32
    return %c0_i32, %c0_i32_0 : i32, i32
  }
}

module attributes {stable_mosaic.version = 14 : i64} {
  func.func @_knn_emit_kernel(%arg0: i32, %arg1: i32, %arg2: memref<1x1024x64xf32, #tpu.memory_space<vmem>>, %arg3: memref<1x1024x3xf32, #tpu.memory_space<vmem>>, %arg4: memref<1x3x2048xf32, #tpu.memory_space<vmem>>, %arg5: memref<64x64xf32, #tpu.memory_space<vmem>>, %arg6: memref<1x64xf32, #tpu.memory_space<vmem>>, %arg7: memref<1x64xf32, #tpu.memory_space<vmem>>, %arg8: memref<1x64xf32, #tpu.memory_space<vmem>>, %arg9: memref<2x64xf32, #tpu.memory_space<vmem>>, %arg10: memref<1x1024x64xf32, #tpu.memory_space<vmem>>, %arg11: memref<1x1024x3xf32, #tpu.memory_space<vmem>>, %arg12: memref<1x1024x3xi32, #tpu.memory_space<vmem>>) attributes {dimension_semantics = [#tpu.dimension_semantics<arbitrary>, #tpu.dimension_semantics<arbitrary>], iteration_bounds = array<i64: 4, 5>, scalar_prefetch = 0 : i64, scratch_operands = 0 : i64, tpu.core_type = #tpu.core_type<tc>, window_params = [{transform_indices = @transform_0, window_bounds = array<i64: 1, 1024, 64>}, {transform_indices = @transform_1, window_bounds = array<i64: 1, 1024, 3>}, {transform_indices = @transform_2, window_bounds = array<i64: 1, 3, 2048>}, {pipeline_mode = #tpu.pipeline_mode<synchronous>, transform_indices = @transform_3, window_bounds = array<i64: 64, 64>}, {pipeline_mode = #tpu.pipeline_mode<synchronous>, transform_indices = @transform_4, window_bounds = array<i64: 1, 64>}, {pipeline_mode = #tpu.pipeline_mode<synchronous>, transform_indices = @transform_5, window_bounds = array<i64: 1, 64>}, {pipeline_mode = #tpu.pipeline_mode<synchronous>, transform_indices = @transform_6, window_bounds = array<i64: 1, 64>}, {pipeline_mode = #tpu.pipeline_mode<synchronous>, transform_indices = @transform_7, window_bounds = array<i64: 2, 64>}, {transform_indices = @transform_8, window_bounds = array<i64: 1, 1024, 64>}, {transform_indices = @transform_9, window_bounds = array<i64: 1, 1024, 3>}, {transform_indices = @transform_10, window_bounds = array<i64: 1, 1024, 3>}]} {
    %get3A = arith.constant 0 : index
    %get3A_0 = arith.constant 0 : index
    %get3A_1 = vector.load %arg9[%get3A, %get3A_0] : memref<2x64xf32, #tpu.memory_space<vmem>>, vector<1x64xf32>
    %div3A = arith.constant 3.276800e+04 : f32
    %div3A_2 = vector.broadcast %div3A : f32 to vector<1x64xf32>
    %div3A_3 = arith.divf %get3A_1, %div3A_2 : vector<1x64xf32>
    %get3A_4 = arith.constant 1 : index
    %get3A_5 = arith.constant 0 : index
    %get3A_6 = vector.load %arg9[%get3A_4, %get3A_5] : memref<2x64xf32, #tpu.memory_space<vmem>>, vector<1x64xf32>
    %div3A_7 = arith.constant 3.276800e+04 : f32
    %div3A_8 = vector.broadcast %div3A_7 : f32 to vector<1x64xf32>
    %div3A_9 = arith.divf %get3A_6, %div3A_8 : vector<1x64xf32>
    %mul3A = arith.mulf %div3A_3, %div3A_3 : vector<1x64xf32>
    %sub3A = arith.subf %div3A_9, %mul3A : vector<1x64xf32>
    %get3A_10 = arith.constant 0 : index
    %get3A_11 = arith.constant 0 : index
    %get3A_12 = arith.constant 0 : index
    %get3A_13 = vector.load %arg2[%get3A_10, %get3A_11, %get3A_12] : memref<1x1024x64xf32, #tpu.memory_space<vmem>>, vector<1x1024x64xf32>
    %get3A_14 = vector.shape_cast %get3A_13 : vector<1x1024x64xf32> to vector<1024x64xf32>
    %get3A_15 = arith.constant 0 : index
    %get3A_16 = arith.constant 0 : index
    %get3A_17 = vector.load %arg5[%get3A_15, %get3A_16] : memref<64x64xf32, #tpu.memory_space<vmem>>, vector<64x64xf32>
    %transpose3A = tpu.transpose %get3A_17, [1, 0] : vector<64x64xf32> -> vector<64x64xf32>
    %dot_general3A = arith.constant dense<0.000000e+00> : vector<1024x64xf32>
    %dot_general3A_18 = tpu.matmul %get3A_14, %transpose3A, %dot_general3A {dimension_numbers = #tpu.dot_dimension_numbers<[1], [0], [0], [1], [0, 0, 1, 1], [], []>, transpose_lhs_hint = false} : vector<1024x64xf32>, vector<64x64xf32>, vector<1024x64xf32> -> vector<1024x64xf32>
    %get3A_19 = arith.constant 0 : index
    %get3A_20 = arith.constant 0 : index
    %get3A_21 = vector.load %arg6[%get3A_19, %get3A_20] : memref<1x64xf32, #tpu.memory_space<vmem>>, vector<1x64xf32>
    %add3A = vector.broadcast %get3A_21 : vector<1x64xf32> to vector<1024x64xf32>
    %add3A_22 = arith.addf %dot_general3A_18, %add3A : vector<1024x64xf32>
    %sub3A_23 = vector.broadcast %div3A_3 : vector<1x64xf32> to vector<1024x64xf32>
    %sub3A_24 = arith.subf %add3A_22, %sub3A_23 : vector<1024x64xf32>
    %add3A_25 = arith.constant 9.99999974E-6 : f32
    %add3A_26 = vector.broadcast %add3A_25 : f32 to vector<1x64xf32>
    %add3A_27 = arith.addf %sub3A, %add3A_26 : vector<1x64xf32>
    %sqrt3A = math.sqrt %add3A_27 : vector<1x64xf32>
    %div3A_28 = vector.broadcast %sqrt3A : vector<1x64xf32> to vector<1024x64xf32>
    %div3A_29 = arith.divf %sub3A_24, %div3A_28 : vector<1024x64xf32>
    %get3A_30 = arith.constant 0 : index
    %get3A_31 = arith.constant 0 : index
    %get3A_32 = vector.load %arg7[%get3A_30, %get3A_31] : memref<1x64xf32, #tpu.memory_space<vmem>>, vector<1x64xf32>
    %mul3A_33 = vector.broadcast %get3A_32 : vector<1x64xf32> to vector<1024x64xf32>
    %mul3A_34 = arith.mulf %div3A_29, %mul3A_33 : vector<1024x64xf32>
    %get3A_35 = arith.constant 0 : index
    %get3A_36 = arith.constant 0 : index
    %get3A_37 = vector.load %arg8[%get3A_35, %get3A_36] : memref<1x64xf32, #tpu.memory_space<vmem>>, vector<1x64xf32>
    %add3A_38 = vector.broadcast %get3A_37 : vector<1x64xf32> to vector<1024x64xf32>
    %add3A_39 = arith.addf %mul3A_34, %add3A_38 : vector<1024x64xf32>
    %max3A = arith.constant 0.000000e+00 : f32
    %max3A_40 = vector.broadcast %max3A : f32 to vector<1024x64xf32>
    %max3A_41 = arith.maximumf %add3A_39, %max3A_40 : vector<1024x64xf32>
    %get3A_42 = arith.constant 0 : index
    %get3A_43 = arith.constant 0 : index
    %get3A_44 = arith.constant 0 : index
    %get3A_45 = vector.load %arg3[%get3A_42, %get3A_43, %get3A_44] : memref<1x1024x3xf32, #tpu.memory_space<vmem>>, vector<1x1024x3xf32>
    %get3A_46 = vector.shape_cast %get3A_45 : vector<1x1024x3xf32> to vector<1024x3xf32>
    %get3A_47 = arith.constant 0 : index
    %get3A_48 = arith.constant 0 : index
    %get3A_49 = arith.constant 0 : index
    %get3A_50 = vector.load %arg4[%get3A_47, %get3A_48, %get3A_49] : memref<1x3x2048xf32, #tpu.memory_space<vmem>>, vector<1x3x2048xf32>
    %get3A_51 = vector.shape_cast %get3A_50 : vector<1x3x2048xf32> to vector<3x2048xf32>
    %mul3A_52 = arith.mulf %get3A_46, %get3A_46 : vector<1024x3xf32>
    %reduce_sum3A = arith.constant dense<0.000000e+00> : vector<1024xf32>
    %reduce_sum3A_53 = vector.multi_reduction <add>, %mul3A_52, %reduce_sum3A [1] : vector<1024x3xf32> to vector<1024xf32>
    %broadcast_in_dim3A = vector.shape_cast %reduce_sum3A_53 : vector<1024xf32> to vector<1024x1xf32>
    %mul3A_54 = arith.mulf %get3A_51, %get3A_51 : vector<3x2048xf32>
    %reduce_sum3A_55 = arith.constant dense<0.000000e+00> : vector<2048xf32>
    %reduce_sum3A_56 = vector.multi_reduction <add>, %mul3A_54, %reduce_sum3A_55 [0] : vector<3x2048xf32> to vector<2048xf32>
    %broadcast_in_dim3A_57 = vector.shape_cast %reduce_sum3A_56 : vector<2048xf32> to vector<1x2048xf32>
    %dot_general3A_58 = arith.constant dense<0.000000e+00> : vector<1024x2048xf32>
    %dot_general3A_59 = tpu.matmul %get3A_46, %get3A_51, %dot_general3A_58 {dimension_numbers = #tpu.dot_dimension_numbers<[1], [0], [0], [1], [0, 0, 1, 1], [], []>, transpose_lhs_hint = false} : vector<1024x3xf32>, vector<3x2048xf32>, vector<1024x2048xf32> -> vector<1024x2048xf32>
    %add3A_60 = vector.broadcast %broadcast_in_dim3A : vector<1024x1xf32> to vector<1024x2048xf32>
    %add3A_61 = vector.broadcast %broadcast_in_dim3A_57 : vector<1x2048xf32> to vector<1024x2048xf32>
    %add3A_62 = arith.addf %add3A_60, %add3A_61 : vector<1024x2048xf32>
    %mul3A_63 = arith.constant 2.000000e+00 : f32
    %mul3A_64 = vector.broadcast %mul3A_63 : f32 to vector<1024x2048xf32>
    %mul3A_65 = arith.mulf %mul3A_64, %dot_general3A_59 : vector<1024x2048xf32>
    %sub3A_66 = arith.subf %add3A_62, %mul3A_65 : vector<1024x2048xf32>
    %max3A_67 = arith.constant 0.000000e+00 : f32
    %max3A_68 = vector.broadcast %max3A_67 : f32 to vector<1024x2048xf32>
    %max3A_69 = arith.maximumf %sub3A_66, %max3A_68 : vector<1024x2048xf32>
    %iota3A = tpu.iota {dimensions = array<i32: 1>} : vector<1024x2048xi32>
    %bitcast_convert_type3A = tpu.bitcast %max3A_69 : vector<1024x2048xf32> -> vector<1024x2048xi32>
    %and3A = arith.constant -2048 : i32
    %and3A_70 = vector.broadcast %and3A : i32 to vector<1024x2048xi32>
    %and3A_71 = arith.andi %bitcast_convert_type3A, %and3A_70 : vector<1024x2048xi32>
    %or3A = arith.ori %and3A_71, %iota3A : vector<1024x2048xi32>
    %add3A_72 = arith.constant 8388608 : i32
    %add3A_73 = vector.broadcast %add3A_72 : i32 to vector<1024x2048xi32>
    %add3A_74 = arith.addi %or3A, %add3A_73 : vector<1024x2048xi32>
    %bitcast_convert_type3A_75 = tpu.bitcast %add3A_74 : vector<1024x2048xi32> -> vector<1024x2048xf32>
    %reduce_min3A = arith.constant dense<0x7F800000> : vector<1024xf32>
    %reduce_min3A_76 = vector.multi_reduction <minimumf>, %bitcast_convert_type3A_75, %reduce_min3A [1] : vector<1024x2048xf32> to vector<1024xf32>
    %broadcast_in_dim3A_77 = vector.shape_cast %reduce_min3A_76 : vector<1024xf32> to vector<1024x1xf32>
    %eq3A = vector.broadcast %broadcast_in_dim3A_77 : vector<1024x1xf32> to vector<1024x2048xf32>
    %eq3A_78 = arith.cmpf oeq, %bitcast_convert_type3A_75, %eq3A : vector<1024x2048xf32>
    %jit3A = arith.constant 3.000000e+38 : f32
    %broadcast_in_dim3A_79 = vector.broadcast %jit3A : f32 to vector<1024x2048xf32>
    %select_n3A = arith.select %eq3A_78, %broadcast_in_dim3A_79, %bitcast_convert_type3A_75 : vector<1024x2048xi1>, vector<1024x2048xf32>
    %reduce_min3A_80 = arith.constant dense<0x7F800000> : vector<1024xf32>
    %reduce_min3A_81 = vector.multi_reduction <minimumf>, %select_n3A, %reduce_min3A_80 [1] : vector<1024x2048xf32> to vector<1024xf32>
    %broadcast_in_dim3A_82 = vector.shape_cast %reduce_min3A_81 : vector<1024xf32> to vector<1024x1xf32>
    %eq3A_83 = vector.broadcast %broadcast_in_dim3A_82 : vector<1024x1xf32> to vector<1024x2048xf32>
    %eq3A_84 = arith.cmpf oeq, %select_n3A, %eq3A_83 : vector<1024x2048xf32>
    %jit3A_85 = arith.constant 3.000000e+38 : f32
    %broadcast_in_dim3A_86 = vector.broadcast %jit3A_85 : f32 to vector<1024x2048xf32>
    %select_n3A_87 = arith.select %eq3A_84, %broadcast_in_dim3A_86, %select_n3A : vector<1024x2048xi1>, vector<1024x2048xf32>
    %reduce_min3A_88 = arith.constant dense<0x7F800000> : vector<1024xf32>
    %reduce_min3A_89 = vector.multi_reduction <minimumf>, %select_n3A_87, %reduce_min3A_88 [1] : vector<1024x2048xf32> to vector<1024xf32>
    %broadcast_in_dim3A_90 = vector.shape_cast %reduce_min3A_89 : vector<1024xf32> to vector<1024x1xf32>
    %bitcast_convert_type3A_91 = tpu.bitcast %broadcast_in_dim3A_77 : vector<1024x1xf32> -> vector<1024x1xi32>
    %bitcast_convert_type3A_92 = tpu.bitcast %broadcast_in_dim3A_82 : vector<1024x1xf32> -> vector<1024x1xi32>
    %bitcast_convert_type3A_93 = tpu.bitcast %broadcast_in_dim3A_90 : vector<1024x1xf32> -> vector<1024x1xi32>
    %sub3A_94 = arith.constant 8388608 : i32
    %sub3A_95 = vector.broadcast %sub3A_94 : i32 to vector<1024x1xi32>
    %sub3A_96 = arith.subi %bitcast_convert_type3A_91, %sub3A_95 : vector<1024x1xi32>
    %and3A_97 = arith.constant -2048 : i32
    %and3A_98 = vector.broadcast %and3A_97 : i32 to vector<1024x1xi32>
    %and3A_99 = arith.andi %sub3A_96, %and3A_98 : vector<1024x1xi32>
    %bitcast_convert_type3A_100 = tpu.bitcast %and3A_99 : vector<1024x1xi32> -> vector<1024x1xf32>
    %sub3A_101 = arith.constant 8388608 : i32
    %sub3A_102 = vector.broadcast %sub3A_101 : i32 to vector<1024x1xi32>
    %sub3A_103 = arith.subi %bitcast_convert_type3A_92, %sub3A_102 : vector<1024x1xi32>
    %and3A_104 = arith.constant -2048 : i32
    %and3A_105 = vector.broadcast %and3A_104 : i32 to vector<1024x1xi32>
    %and3A_106 = arith.andi %sub3A_103, %and3A_105 : vector<1024x1xi32>
    %bitcast_convert_type3A_107 = tpu.bitcast %and3A_106 : vector<1024x1xi32> -> vector<1024x1xf32>
    %sub3A_108 = arith.constant 8388608 : i32
    %sub3A_109 = vector.broadcast %sub3A_108 : i32 to vector<1024x1xi32>
    %sub3A_110 = arith.subi %bitcast_convert_type3A_93, %sub3A_109 : vector<1024x1xi32>
    %and3A_111 = arith.constant -2048 : i32
    %and3A_112 = vector.broadcast %and3A_111 : i32 to vector<1024x1xi32>
    %and3A_113 = arith.andi %sub3A_110, %and3A_112 : vector<1024x1xi32>
    %bitcast_convert_type3A_114 = tpu.bitcast %and3A_113 : vector<1024x1xi32> -> vector<1024x1xf32>
    %sqrt3A_115 = math.sqrt %bitcast_convert_type3A_100 : vector<1024x1xf32>
    %add3A_116 = arith.constant 9.99999993E-9 : f32
    %add3A_117 = vector.broadcast %add3A_116 : f32 to vector<1024x1xf32>
    %add3A_118 = arith.addf %sqrt3A_115, %add3A_117 : vector<1024x1xf32>
    %div3A_119 = arith.constant 1.000000e+00 : f32
    %div3A_120 = vector.broadcast %div3A_119 : f32 to vector<1024x1xf32>
    %div3A_121 = arith.divf %div3A_120, %add3A_118 : vector<1024x1xf32>
    %sqrt3A_122 = math.sqrt %bitcast_convert_type3A_107 : vector<1024x1xf32>
    %add3A_123 = arith.constant 9.99999993E-9 : f32
    %add3A_124 = vector.broadcast %add3A_123 : f32 to vector<1024x1xf32>
    %add3A_125 = arith.addf %sqrt3A_122, %add3A_124 : vector<1024x1xf32>
    %div3A_126 = arith.constant 1.000000e+00 : f32
    %div3A_127 = vector.broadcast %div3A_126 : f32 to vector<1024x1xf32>
    %div3A_128 = arith.divf %div3A_127, %add3A_125 : vector<1024x1xf32>
    %sqrt3A_129 = math.sqrt %bitcast_convert_type3A_114 : vector<1024x1xf32>
    %add3A_130 = arith.constant 9.99999993E-9 : f32
    %add3A_131 = vector.broadcast %add3A_130 : f32 to vector<1024x1xf32>
    %add3A_132 = arith.addf %sqrt3A_129, %add3A_131 : vector<1024x1xf32>
    %div3A_133 = arith.constant 1.000000e+00 : f32
    %div3A_134 = vector.broadcast %div3A_133 : f32 to vector<1024x1xf32>
    %div3A_135 = arith.divf %div3A_134, %add3A_132 : vector<1024x1xf32>
    %add3A_136 = arith.addf %div3A_121, %div3A_128 : vector<1024x1xf32>
    %add3A_137 = arith.addf %add3A_136, %div3A_135 : vector<1024x1xf32>
    %div3A_138 = arith.divf %div3A_121, %add3A_137 : vector<1024x1xf32>
    %div3A_139 = arith.divf %div3A_128, %add3A_137 : vector<1024x1xf32>
    %div3A_140 = arith.divf %div3A_135, %add3A_137 : vector<1024x1xf32>
    %swap3A = arith.constant 0 : index
    %swap3A_141 = arith.constant 0 : index
    %swap3A_142 = arith.constant 0 : index
    %swap3A_143 = vector.load %arg10[%swap3A, %swap3A_141, %swap3A_142] : memref<1x1024x64xf32, #tpu.memory_space<vmem>>, vector<1x1024x64xf32>
    %swap3A_144 = vector.shape_cast %swap3A_143 : vector<1x1024x64xf32> to vector<1024x64xf32>
    %swap3A_145 = vector.shape_cast %max3A_41 : vector<1024x64xf32> to vector<1x1024x64xf32>
    tpu.vector_store %arg10[%swap3A, %swap3A_141, %swap3A_142], %swap3A_145 {strides = array<i32>} : memref<1x1024x64xf32, #tpu.memory_space<vmem>>, vector<1x1024x64xf32>,
    %and3A_146 = arith.constant 2047 : i32
    %and3A_147 = vector.broadcast %and3A_146 : i32 to vector<1024x1xi32>
    %and3A_148 = arith.andi %bitcast_convert_type3A_91, %and3A_147 : vector<1024x1xi32>
    %and3A_149 = arith.constant 2047 : i32
    %and3A_150 = vector.broadcast %and3A_149 : i32 to vector<1024x1xi32>
    %and3A_151 = arith.andi %bitcast_convert_type3A_92, %and3A_150 : vector<1024x1xi32>
    %and3A_152 = arith.constant 2047 : i32
    %and3A_153 = vector.broadcast %and3A_152 : i32 to vector<1024x1xi32>
    %and3A_154 = arith.andi %bitcast_convert_type3A_93, %and3A_153 : vector<1024x1xi32>
    %mul3A_155 = arith.constant 2048 : i32
    %mul3A_156 = arith.muli %arg0, %mul3A_155 : i32
    %concatenate3A = tpu.concatenate %div3A_138, %div3A_139, %div3A_140 in 1 : vector<1024x1xf32>, vector<1024x1xf32>, vector<1024x1xf32> -> vector<1024x3xf32>
    %swap3A_157 = arith.constant 0 : index
    %swap3A_158 = arith.constant 0 : index
    %swap3A_159 = arith.constant 0 : index
    %swap3A_160 = vector.load %arg11[%swap3A_157, %swap3A_158, %swap3A_159] : memref<1x1024x3xf32, #tpu.memory_space<vmem>>, vector<1x1024x3xf32>
    %swap3A_161 = vector.shape_cast %swap3A_160 : vector<1x1024x3xf32> to vector<1024x3xf32>
    %swap3A_162 = vector.shape_cast %concatenate3A : vector<1024x3xf32> to vector<1x1024x3xf32>
    tpu.vector_store %arg11[%swap3A_157, %swap3A_158, %swap3A_159], %swap3A_162 {strides = array<i32>} : memref<1x1024x3xf32, #tpu.memory_space<vmem>>, vector<1x1024x3xf32>,
    %concatenate3A_163 = tpu.concatenate %and3A_148, %and3A_151, %and3A_154 in 1 : vector<1024x1xi32>, vector<1024x1xi32>, vector<1024x1xi32> -> vector<1024x3xi32>
    %add3A_164 = vector.broadcast %mul3A_156 : i32 to vector<1024x3xi32>
    %add3A_165 = arith.addi %concatenate3A_163, %add3A_164 : vector<1024x3xi32>
    %swap3A_166 = arith.constant 0 : index
    %swap3A_167 = arith.constant 0 : index
    %swap3A_168 = arith.constant 0 : index
    %swap3A_169 = vector.load %arg12[%swap3A_166, %swap3A_167, %swap3A_168] : memref<1x1024x3xi32, #tpu.memory_space<vmem>>, vector<1x1024x3xi32>
    %swap3A_170 = vector.shape_cast %swap3A_169 : vector<1x1024x3xi32> to vector<1024x3xi32>
    %swap3A_171 = vector.shape_cast %add3A_165 : vector<1024x3xi32> to vector<1x1024x3xi32>
    tpu.vector_store %arg12[%swap3A_166, %swap3A_167, %swap3A_168], %swap3A_171 {strides = array<i32>} : memref<1x1024x3xi32, #tpu.memory_space<vmem>>, vector<1x1024x3xi32>,
    return
  }
  func.func @transform_0(%arg0: i32, %arg1: i32) -> (i32, i32, i32) {
    %c0_i32 = arith.constant 0 : i32
    %c0_i32_0 = arith.constant 0 : i32
    return %arg0, %arg1, %c0_i32 : i32, i32, i32
  }
  func.func @transform_1(%arg0: i32, %arg1: i32) -> (i32, i32, i32) {
    %c0_i32 = arith.constant 0 : i32
    %c0_i32_0 = arith.constant 0 : i32
    return %arg0, %arg1, %c0_i32 : i32, i32, i32
  }
  func.func @transform_2(%arg0: i32, %arg1: i32) -> (i32, i32, i32) {
    %c0_i32 = arith.constant 0 : i32
    %c0_i32_0 = arith.constant 0 : i32
    %c0_i32_1 = arith.constant 0 : i32
    return %arg0, %c0_i32, %c0_i32_0 : i32, i32, i32
  }
  func.func @transform_3(%arg0: i32, %arg1: i32) -> (i32, i32) {
    %c0_i32 = arith.constant 0 : i32
    %c0_i32_0 = arith.constant 0 : i32
    %c0_i32_1 = arith.constant 0 : i32
    return %c0_i32, %c0_i32_0 : i32, i32
  }
  func.func @transform_4(%arg0: i32, %arg1: i32) -> (i32, i32) {
    %c0_i32 = arith.constant 0 : i32
    %c0_i32_0 = arith.constant 0 : i32
    %c0_i32_1 = arith.constant 0 : i32
    return %c0_i32, %c0_i32_0 : i32, i32
  }
  func.func @transform_5(%arg0: i32, %arg1: i32) -> (i32, i32) {
    %c0_i32 = arith.constant 0 : i32
    %c0_i32_0 = arith.constant 0 : i32
    %c0_i32_1 = arith.constant 0 : i32
    return %c0_i32, %c0_i32_0 : i32, i32
  }
  func.func @transform_6(%arg0: i32, %arg1: i32) -> (i32, i32) {
    %c0_i32 = arith.constant 0 : i32
    %c0_i32_0 = arith.constant 0 : i32
    %c0_i32_1 = arith.constant 0 : i32
    return %c0_i32, %c0_i32_0 : i32, i32
  }
  func.func @transform_7(%arg0: i32, %arg1: i32) -> (i32, i32) {
    %c0_i32 = arith.constant 0 : i32
    %c0_i32_0 = arith.constant 0 : i32
    %c0_i32_1 = arith.constant 0 : i32
    return %c0_i32, %c0_i32_0 : i32, i32
  }
  func.func @transform_8(%arg0: i32, %arg1: i32) -> (i32, i32, i32) {
    %c0_i32 = arith.constant 0 : i32
    %c0_i32_0 = arith.constant 0 : i32
    return %arg0, %arg1, %c0_i32 : i32, i32, i32
  }
  func.func @transform_9(%arg0: i32, %arg1: i32) -> (i32, i32, i32) {
    %c0_i32 = arith.constant 0 : i32
    %c0_i32_0 = arith.constant 0 : i32
    return %arg0, %arg1, %c0_i32 : i32, i32, i32
  }
  func.func @transform_10(%arg0: i32, %arg1: i32) -> (i32, i32, i32) {
    %c0_i32 = arith.constant 0 : i32
    %c0_i32_0 = arith.constant 0 : i32
    return %arg0, %arg1, %c0_i32 : i32, i32, i32
  }
}

module attributes {stable_mosaic.version = 14 : i64} {
  func.func @_f2_kernel(%arg0: memref<8192x256xf32, #tpu.memory_space<vmem>>, %arg1: memref<64x256xf32, #tpu.memory_space<vmem>>, %arg2: memref<1x64xf32, #tpu.memory_space<vmem>>, %arg3: memref<1x64xf32, #tpu.memory_space<vmem>>, %arg4: memref<1x64xf32, #tpu.memory_space<vmem>>, %arg5: memref<8192x128xf32, #tpu.memory_space<vmem>>) attributes {dimension_semantics = [], scalar_prefetch = 0 : i64, scratch_operands = 0 : i64, tpu.core_type = #tpu.core_type<tc>} {
    %get3A = arith.constant 0 : index
    %get3A_0 = arith.constant 0 : index
    %get3A_1 = vector.load %arg0[%get3A, %get3A_0] : memref<8192x256xf32, #tpu.memory_space<vmem>>, vector<8192x256xf32>
    %get3A_2 = arith.constant 0 : index
    %get3A_3 = arith.constant 0 : index
    %get3A_4 = vector.load %arg1[%get3A_2, %get3A_3] : memref<64x256xf32, #tpu.memory_space<vmem>>, vector<64x256xf32>
    %transpose3A = tpu.transpose %get3A_4, [1, 0] : vector<64x256xf32> -> vector<256x64xf32>
    %dot_general3A = arith.constant dense<0.000000e+00> : vector<8192x64xf32>
    %dot_general3A_5 = tpu.matmul %get3A_1, %transpose3A, %dot_general3A {dimension_numbers = #tpu.dot_dimension_numbers<[1], [0], [0], [1], [0, 0, 1, 1], [], []>, transpose_lhs_hint = false} : vector<8192x256xf32>, vector<256x64xf32>, vector<8192x64xf32> -> vector<8192x64xf32>
    %get3A_6 = arith.constant 0 : index
    %get3A_7 = arith.constant 0 : index
    %get3A_8 = vector.load %arg2[%get3A_6, %get3A_7] : memref<1x64xf32, #tpu.memory_space<vmem>>, vector<1x64xf32>
    %add3A = vector.broadcast %get3A_8 : vector<1x64xf32> to vector<8192x64xf32>
    %add3A_9 = arith.addf %dot_general3A_5, %add3A : vector<8192x64xf32>
    %reduce_sum3A = arith.constant dense<0.000000e+00> : vector<64xf32>
    %reduce_sum3A_10 = vector.multi_reduction <add>, %add3A_9, %reduce_sum3A [0] : vector<8192x64xf32> to vector<64xf32>
    %broadcast_in_dim3A = vector.shape_cast %reduce_sum3A_10 : vector<64xf32> to vector<1x64xf32>
    %div3A = arith.constant 8.192000e+03 : f32
    %div3A_11 = vector.broadcast %div3A : f32 to vector<1x64xf32>
    %div3A_12 = arith.divf %broadcast_in_dim3A, %div3A_11 : vector<1x64xf32>
    %sub3A = vector.broadcast %div3A_12 : vector<1x64xf32> to vector<8192x64xf32>
    %sub3A_13 = arith.subf %add3A_9, %sub3A : vector<8192x64xf32>
    %integer_pow3A = arith.mulf %sub3A_13, %sub3A_13 : vector<8192x64xf32>
    %reduce_sum3A_14 = arith.constant dense<0.000000e+00> : vector<64xf32>
    %reduce_sum3A_15 = vector.multi_reduction <add>, %integer_pow3A, %reduce_sum3A_14 [0] : vector<8192x64xf32> to vector<64xf32>
    %broadcast_in_dim3A_16 = vector.shape_cast %reduce_sum3A_15 : vector<64xf32> to vector<1x64xf32>
    %div3A_17 = arith.constant 8.192000e+03 : f32
    %div3A_18 = vector.broadcast %div3A_17 : f32 to vector<1x64xf32>
    %div3A_19 = arith.divf %broadcast_in_dim3A_16, %div3A_18 : vector<1x64xf32>
    %sub3A_20 = vector.broadcast %div3A_12 : vector<1x64xf32> to vector<8192x64xf32>
    %sub3A_21 = arith.subf %add3A_9, %sub3A_20 : vector<8192x64xf32>
    %add3A_22 = arith.constant 9.99999974E-6 : f32
    %add3A_23 = vector.broadcast %add3A_22 : f32 to vector<1x64xf32>
    %add3A_24 = arith.addf %div3A_19, %add3A_23 : vector<1x64xf32>
    %sqrt3A = math.sqrt %add3A_24 : vector<1x64xf32>
    %div3A_25 = vector.broadcast %sqrt3A : vector<1x64xf32> to vector<8192x64xf32>
    %div3A_26 = arith.divf %sub3A_21, %div3A_25 : vector<8192x64xf32>
    %get3A_27 = arith.constant 0 : index
    %get3A_28 = arith.constant 0 : index
    %get3A_29 = vector.load %arg3[%get3A_27, %get3A_28] : memref<1x64xf32, #tpu.memory_space<vmem>>, vector<1x64xf32>
    %mul3A = vector.broadcast %get3A_29 : vector<1x64xf32> to vector<8192x64xf32>
    %mul3A_30 = arith.mulf %div3A_26, %mul3A : vector<8192x64xf32>
    %get3A_31 = arith.constant 0 : index
    %get3A_32 = arith.constant 0 : index
    %get3A_33 = vector.load %arg4[%get3A_31, %get3A_32] : memref<1x64xf32, #tpu.memory_space<vmem>>, vector<1x64xf32>
    %add3A_34 = vector.broadcast %get3A_33 : vector<1x64xf32> to vector<8192x64xf32>
    %add3A_35 = arith.addf %mul3A_30, %add3A_34 : vector<8192x64xf32>
    %max3A = arith.constant 0.000000e+00 : f32
    %max3A_36 = vector.broadcast %max3A : f32 to vector<8192x64xf32>
    %max3A_37 = arith.maximumf %add3A_35, %max3A_36 : vector<8192x64xf32>
    %broadcast_in_dim3A_38 = arith.constant 0.000000e+00 : f32
    %broadcast_in_dim3A_39 = vector.broadcast %broadcast_in_dim3A_38 : f32 to vector<8192x64xf32>
    %concatenate3A = tpu.concatenate %max3A_37, %broadcast_in_dim3A_39 in 1 : vector<8192x64xf32>, vector<8192x64xf32> -> vector<8192x128xf32>
    %swap3A = arith.constant 0 : index
    %swap3A_40 = arith.constant 0 : index
    %swap3A_41 = vector.load %arg5[%swap3A, %swap3A_40] : memref<8192x128xf32, #tpu.memory_space<vmem>>, vector<8192x128xf32>
    tpu.vector_store %arg5[%swap3A, %swap3A_40], %concatenate3A {strides = array<i32>} : memref<8192x128xf32, #tpu.memory_space<vmem>>, vector<8192x128xf32>,
    return
  }
}

module attributes {stable_mosaic.version = 14 : i64} {
  func.func @_knn_onehot_kernel(%arg0: i32, %arg1: i32, %arg2: memref<1x1024x64xf32, #tpu.memory_space<vmem>>, %arg3: memref<1x1024x3xf32, #tpu.memory_space<vmem>>, %arg4: memref<1x3x2048xf32, #tpu.memory_space<vmem>>, %arg5: memref<1x2048x128xf32, #tpu.memory_space<vmem>>, %arg6: memref<64x64xf32, #tpu.memory_space<vmem>>, %arg7: memref<1x64xf32, #tpu.memory_space<vmem>>, %arg8: memref<1x64xf32, #tpu.memory_space<vmem>>, %arg9: memref<1x64xf32, #tpu.memory_space<vmem>>, %arg10: memref<2x64xf32, #tpu.memory_space<vmem>>, %arg11: memref<1x1024x64xf32, #tpu.memory_space<vmem>>) attributes {dimension_semantics = [#tpu.dimension_semantics<arbitrary>, #tpu.dimension_semantics<arbitrary>], iteration_bounds = array<i64: 4, 3>, scalar_prefetch = 0 : i64, scratch_operands = 0 : i64, tpu.core_type = #tpu.core_type<tc>, window_params = [{transform_indices = @transform_0, window_bounds = array<i64: 1, 1024, 64>}, {transform_indices = @transform_1, window_bounds = array<i64: 1, 1024, 3>}, {transform_indices = @transform_2, window_bounds = array<i64: 1, 3, 2048>}, {transform_indices = @transform_3, window_bounds = array<i64: 1, 2048, 128>}, {pipeline_mode = #tpu.pipeline_mode<synchronous>, transform_indices = @transform_4, window_bounds = array<i64: 64, 64>}, {pipeline_mode = #tpu.pipeline_mode<synchronous>, transform_indices = @transform_5, window_bounds = array<i64: 1, 64>}, {pipeline_mode = #tpu.pipeline_mode<synchronous>, transform_indices = @transform_6, window_bounds = array<i64: 1, 64>}, {pipeline_mode = #tpu.pipeline_mode<synchronous>, transform_indices = @transform_7, window_bounds = array<i64: 1, 64>}, {pipeline_mode = #tpu.pipeline_mode<synchronous>, transform_indices = @transform_8, window_bounds = array<i64: 2, 64>}, {transform_indices = @transform_9, window_bounds = array<i64: 1, 1024, 64>}]} {
    %get3A = arith.constant 0 : index
    %get3A_0 = arith.constant 0 : index
    %get3A_1 = vector.load %arg10[%get3A, %get3A_0] : memref<2x64xf32, #tpu.memory_space<vmem>>, vector<1x64xf32>
    %div3A = arith.constant 3.276800e+04 : f32
    %div3A_2 = vector.broadcast %div3A : f32 to vector<1x64xf32>
    %div3A_3 = arith.divf %get3A_1, %div3A_2 : vector<1x64xf32>
    %get3A_4 = arith.constant 1 : index
    %get3A_5 = arith.constant 0 : index
    %get3A_6 = vector.load %arg10[%get3A_4, %get3A_5] : memref<2x64xf32, #tpu.memory_space<vmem>>, vector<1x64xf32>
    %div3A_7 = arith.constant 3.276800e+04 : f32
    %div3A_8 = vector.broadcast %div3A_7 : f32 to vector<1x64xf32>
    %div3A_9 = arith.divf %get3A_6, %div3A_8 : vector<1x64xf32>
    %mul3A = arith.mulf %div3A_3, %div3A_3 : vector<1x64xf32>
    %sub3A = arith.subf %div3A_9, %mul3A : vector<1x64xf32>
    %get3A_10 = arith.constant 0 : index
    %get3A_11 = arith.constant 0 : index
    %get3A_12 = arith.constant 0 : index
    %get3A_13 = vector.load %arg2[%get3A_10, %get3A_11, %get3A_12] : memref<1x1024x64xf32, #tpu.memory_space<vmem>>, vector<1x1024x64xf32>
    %get3A_14 = vector.shape_cast %get3A_13 : vector<1x1024x64xf32> to vector<1024x64xf32>
    %get3A_15 = arith.constant 0 : index
    %get3A_16 = arith.constant 0 : index
    %get3A_17 = vector.load %arg6[%get3A_15, %get3A_16] : memref<64x64xf32, #tpu.memory_space<vmem>>, vector<64x64xf32>
    %transpose3A = tpu.transpose %get3A_17, [1, 0] : vector<64x64xf32> -> vector<64x64xf32>
    %dot_general3A = arith.constant dense<0.000000e+00> : vector<1024x64xf32>
    %dot_general3A_18 = tpu.matmul %get3A_14, %transpose3A, %dot_general3A {dimension_numbers = #tpu.dot_dimension_numbers<[1], [0], [0], [1], [0, 0, 1, 1], [], []>, transpose_lhs_hint = false} : vector<1024x64xf32>, vector<64x64xf32>, vector<1024x64xf32> -> vector<1024x64xf32>
    %get3A_19 = arith.constant 0 : index
    %get3A_20 = arith.constant 0 : index
    %get3A_21 = vector.load %arg7[%get3A_19, %get3A_20] : memref<1x64xf32, #tpu.memory_space<vmem>>, vector<1x64xf32>
    %add3A = vector.broadcast %get3A_21 : vector<1x64xf32> to vector<1024x64xf32>
    %add3A_22 = arith.addf %dot_general3A_18, %add3A : vector<1024x64xf32>
    %sub3A_23 = vector.broadcast %div3A_3 : vector<1x64xf32> to vector<1024x64xf32>
    %sub3A_24 = arith.subf %add3A_22, %sub3A_23 : vector<1024x64xf32>
    %add3A_25 = arith.constant 9.99999974E-6 : f32
    %add3A_26 = vector.broadcast %add3A_25 : f32 to vector<1x64xf32>
    %add3A_27 = arith.addf %sub3A, %add3A_26 : vector<1x64xf32>
    %sqrt3A = math.sqrt %add3A_27 : vector<1x64xf32>
    %div3A_28 = vector.broadcast %sqrt3A : vector<1x64xf32> to vector<1024x64xf32>
    %div3A_29 = arith.divf %sub3A_24, %div3A_28 : vector<1024x64xf32>
    %get3A_30 = arith.constant 0 : index
    %get3A_31 = arith.constant 0 : index
    %get3A_32 = vector.load %arg8[%get3A_30, %get3A_31] : memref<1x64xf32, #tpu.memory_space<vmem>>, vector<1x64xf32>
    %mul3A_33 = vector.broadcast %get3A_32 : vector<1x64xf32> to vector<1024x64xf32>
    %mul3A_34 = arith.mulf %div3A_29, %mul3A_33 : vector<1024x64xf32>
    %get3A_35 = arith.constant 0 : index
    %get3A_36 = arith.constant 0 : index
    %get3A_37 = vector.load %arg9[%get3A_35, %get3A_36] : memref<1x64xf32, #tpu.memory_space<vmem>>, vector<1x64xf32>
    %add3A_38 = vector.broadcast %get3A_37 : vector<1x64xf32> to vector<1024x64xf32>
    %add3A_39 = arith.addf %mul3A_34, %add3A_38 : vector<1024x64xf32>
    %max3A = arith.constant 0.000000e+00 : f32
    %max3A_40 = vector.broadcast %max3A : f32 to vector<1024x64xf32>
    %max3A_41 = arith.maximumf %add3A_39, %max3A_40 : vector<1024x64xf32>
    %get3A_42 = arith.constant 0 : index
    %get3A_43 = arith.constant 0 : index
    %get3A_44 = arith.constant 0 : index
    %get3A_45 = vector.load %arg3[%get3A_42, %get3A_43, %get3A_44] : memref<1x1024x3xf32, #tpu.memory_space<vmem>>, vector<1x1024x3xf32>
    %get3A_46 = vector.shape_cast %get3A_45 : vector<1x1024x3xf32> to vector<1024x3xf32>
    %get3A_47 = arith.constant 0 : index
    %get3A_48 = arith.constant 0 : index
    %get3A_49 = arith.constant 0 : index
    %get3A_50 = vector.load %arg4[%get3A_47, %get3A_48, %get3A_49] : memref<1x3x2048xf32, #tpu.memory_space<vmem>>, vector<1x3x2048xf32>
    %get3A_51 = vector.shape_cast %get3A_50 : vector<1x3x2048xf32> to vector<3x2048xf32>
    %mul3A_52 = arith.mulf %get3A_46, %get3A_46 : vector<1024x3xf32>
    %reduce_sum3A = arith.constant dense<0.000000e+00> : vector<1024xf32>
    %reduce_sum3A_53 = vector.multi_reduction <add>, %mul3A_52, %reduce_sum3A [1] : vector<1024x3xf32> to vector<1024xf32>
    %broadcast_in_dim3A = vector.shape_cast %reduce_sum3A_53 : vector<1024xf32> to vector<1024x1xf32>
    %mul3A_54 = arith.mulf %get3A_51, %get3A_51 : vector<3x2048xf32>
    %reduce_sum3A_55 = arith.constant dense<0.000000e+00> : vector<2048xf32>
    %reduce_sum3A_56 = vector.multi_reduction <add>, %mul3A_54, %reduce_sum3A_55 [0] : vector<3x2048xf32> to vector<2048xf32>
    %broadcast_in_dim3A_57 = vector.shape_cast %reduce_sum3A_56 : vector<2048xf32> to vector<1x2048xf32>
    %dot_general3A_58 = arith.constant dense<0.000000e+00> : vector<1024x2048xf32>
    %dot_general3A_59 = tpu.matmul %get3A_46, %get3A_51, %dot_general3A_58 {dimension_numbers = #tpu.dot_dimension_numbers<[1], [0], [0], [1], [0, 0, 1, 1], [], []>, transpose_lhs_hint = false} : vector<1024x3xf32>, vector<3x2048xf32>, vector<1024x2048xf32> -> vector<1024x2048xf32>
    %add3A_60 = vector.broadcast %broadcast_in_dim3A : vector<1024x1xf32> to vector<1024x2048xf32>
    %add3A_61 = vector.broadcast %broadcast_in_dim3A_57 : vector<1x2048xf32> to vector<1024x2048xf32>
    %add3A_62 = arith.addf %add3A_60, %add3A_61 : vector<1024x2048xf32>
    %mul3A_63 = arith.constant 2.000000e+00 : f32
    %mul3A_64 = vector.broadcast %mul3A_63 : f32 to vector<1024x2048xf32>
    %mul3A_65 = arith.mulf %mul3A_64, %dot_general3A_59 : vector<1024x2048xf32>
    %sub3A_66 = arith.subf %add3A_62, %mul3A_65 : vector<1024x2048xf32>
    %max3A_67 = arith.constant 0.000000e+00 : f32
    %max3A_68 = vector.broadcast %max3A_67 : f32 to vector<1024x2048xf32>
    %max3A_69 = arith.maximumf %sub3A_66, %max3A_68 : vector<1024x2048xf32>
    %iota3A = tpu.iota {dimensions = array<i32: 1>} : vector<1024x2048xi32>
    %bitcast_convert_type3A = tpu.bitcast %max3A_69 : vector<1024x2048xf32> -> vector<1024x2048xi32>
    %and3A = arith.constant -2048 : i32
    %and3A_70 = vector.broadcast %and3A : i32 to vector<1024x2048xi32>
    %and3A_71 = arith.andi %bitcast_convert_type3A, %and3A_70 : vector<1024x2048xi32>
    %or3A = arith.ori %and3A_71, %iota3A : vector<1024x2048xi32>
    %add3A_72 = arith.constant 8388608 : i32
    %add3A_73 = vector.broadcast %add3A_72 : i32 to vector<1024x2048xi32>
    %add3A_74 = arith.addi %or3A, %add3A_73 : vector<1024x2048xi32>
    %bitcast_convert_type3A_75 = tpu.bitcast %add3A_74 : vector<1024x2048xi32> -> vector<1024x2048xf32>
    %reduce_min3A = arith.constant dense<0x7F800000> : vector<1024xf32>
    %reduce_min3A_76 = vector.multi_reduction <minimumf>, %bitcast_convert_type3A_75, %reduce_min3A [1] : vector<1024x2048xf32> to vector<1024xf32>
    %broadcast_in_dim3A_77 = vector.shape_cast %reduce_min3A_76 : vector<1024xf32> to vector<1024x1xf32>
    %eq3A = vector.broadcast %broadcast_in_dim3A_77 : vector<1024x1xf32> to vector<1024x2048xf32>
    %eq3A_78 = arith.cmpf oeq, %bitcast_convert_type3A_75, %eq3A : vector<1024x2048xf32>
    %jit3A = arith.constant 3.000000e+38 : f32
    %broadcast_in_dim3A_79 = vector.broadcast %jit3A : f32 to vector<1024x2048xf32>
    %select_n3A = arith.select %eq3A_78, %broadcast_in_dim3A_79, %bitcast_convert_type3A_75 : vector<1024x2048xi1>, vector<1024x2048xf32>
    %reduce_min3A_80 = arith.constant dense<0x7F800000> : vector<1024xf32>
    %reduce_min3A_81 = vector.multi_reduction <minimumf>, %select_n3A, %reduce_min3A_80 [1] : vector<1024x2048xf32> to vector<1024xf32>
    %broadcast_in_dim3A_82 = vector.shape_cast %reduce_min3A_81 : vector<1024xf32> to vector<1024x1xf32>
    %eq3A_83 = vector.broadcast %broadcast_in_dim3A_82 : vector<1024x1xf32> to vector<1024x2048xf32>
    %eq3A_84 = arith.cmpf oeq, %select_n3A, %eq3A_83 : vector<1024x2048xf32>
    %jit3A_85 = arith.constant 3.000000e+38 : f32
    %broadcast_in_dim3A_86 = vector.broadcast %jit3A_85 : f32 to vector<1024x2048xf32>
    %select_n3A_87 = arith.select %eq3A_84, %broadcast_in_dim3A_86, %select_n3A : vector<1024x2048xi1>, vector<1024x2048xf32>
    %reduce_min3A_88 = arith.constant dense<0x7F800000> : vector<1024xf32>
    %reduce_min3A_89 = vector.multi_reduction <minimumf>, %select_n3A_87, %reduce_min3A_88 [1] : vector<1024x2048xf32> to vector<1024xf32>
    %broadcast_in_dim3A_90 = vector.shape_cast %reduce_min3A_89 : vector<1024xf32> to vector<1024x1xf32>
    %bitcast_convert_type3A_91 = tpu.bitcast %broadcast_in_dim3A_77 : vector<1024x1xf32> -> vector<1024x1xi32>
    %bitcast_convert_type3A_92 = tpu.bitcast %broadcast_in_dim3A_82 : vector<1024x1xf32> -> vector<1024x1xi32>
    %bitcast_convert_type3A_93 = tpu.bitcast %broadcast_in_dim3A_90 : vector<1024x1xf32> -> vector<1024x1xi32>
    %sub3A_94 = arith.constant 8388608 : i32
    %sub3A_95 = vector.broadcast %sub3A_94 : i32 to vector<1024x1xi32>
    %sub3A_96 = arith.subi %bitcast_convert_type3A_91, %sub3A_95 : vector<1024x1xi32>
    %and3A_97 = arith.constant -2048 : i32
    %and3A_98 = vector.broadcast %and3A_97 : i32 to vector<1024x1xi32>
    %and3A_99 = arith.andi %sub3A_96, %and3A_98 : vector<1024x1xi32>
    %bitcast_convert_type3A_100 = tpu.bitcast %and3A_99 : vector<1024x1xi32> -> vector<1024x1xf32>
    %sub3A_101 = arith.constant 8388608 : i32
    %sub3A_102 = vector.broadcast %sub3A_101 : i32 to vector<1024x1xi32>
    %sub3A_103 = arith.subi %bitcast_convert_type3A_92, %sub3A_102 : vector<1024x1xi32>
    %and3A_104 = arith.constant -2048 : i32
    %and3A_105 = vector.broadcast %and3A_104 : i32 to vector<1024x1xi32>
    %and3A_106 = arith.andi %sub3A_103, %and3A_105 : vector<1024x1xi32>
    %bitcast_convert_type3A_107 = tpu.bitcast %and3A_106 : vector<1024x1xi32> -> vector<1024x1xf32>
    %sub3A_108 = arith.constant 8388608 : i32
    %sub3A_109 = vector.broadcast %sub3A_108 : i32 to vector<1024x1xi32>
    %sub3A_110 = arith.subi %bitcast_convert_type3A_93, %sub3A_109 : vector<1024x1xi32>
    %and3A_111 = arith.constant -2048 : i32
    %and3A_112 = vector.broadcast %and3A_111 : i32 to vector<1024x1xi32>
    %and3A_113 = arith.andi %sub3A_110, %and3A_112 : vector<1024x1xi32>
    %bitcast_convert_type3A_114 = tpu.bitcast %and3A_113 : vector<1024x1xi32> -> vector<1024x1xf32>
    %sqrt3A_115 = math.sqrt %bitcast_convert_type3A_100 : vector<1024x1xf32>
    %add3A_116 = arith.constant 9.99999993E-9 : f32
    %add3A_117 = vector.broadcast %add3A_116 : f32 to vector<1024x1xf32>
    %add3A_118 = arith.addf %sqrt3A_115, %add3A_117 : vector<1024x1xf32>
    %div3A_119 = arith.constant 1.000000e+00 : f32
    %div3A_120 = vector.broadcast %div3A_119 : f32 to vector<1024x1xf32>
    %div3A_121 = arith.divf %div3A_120, %add3A_118 : vector<1024x1xf32>
    %sqrt3A_122 = math.sqrt %bitcast_convert_type3A_107 : vector<1024x1xf32>
    %add3A_123 = arith.constant 9.99999993E-9 : f32
    %add3A_124 = vector.broadcast %add3A_123 : f32 to vector<1024x1xf32>
    %add3A_125 = arith.addf %sqrt3A_122, %add3A_124 : vector<1024x1xf32>
    %div3A_126 = arith.constant 1.000000e+00 : f32
    %div3A_127 = vector.broadcast %div3A_126 : f32 to vector<1024x1xf32>
    %div3A_128 = arith.divf %div3A_127, %add3A_125 : vector<1024x1xf32>
    %sqrt3A_129 = math.sqrt %bitcast_convert_type3A_114 : vector<1024x1xf32>
    %add3A_130 = arith.constant 9.99999993E-9 : f32
    %add3A_131 = vector.broadcast %add3A_130 : f32 to vector<1024x1xf32>
    %add3A_132 = arith.addf %sqrt3A_129, %add3A_131 : vector<1024x1xf32>
    %div3A_133 = arith.constant 1.000000e+00 : f32
    %div3A_134 = vector.broadcast %div3A_133 : f32 to vector<1024x1xf32>
    %div3A_135 = arith.divf %div3A_134, %add3A_132 : vector<1024x1xf32>
    %add3A_136 = arith.addf %div3A_121, %div3A_128 : vector<1024x1xf32>
    %add3A_137 = arith.addf %add3A_136, %div3A_135 : vector<1024x1xf32>
    %div3A_138 = arith.divf %div3A_121, %add3A_137 : vector<1024x1xf32>
    %div3A_139 = arith.divf %div3A_128, %add3A_137 : vector<1024x1xf32>
    %div3A_140 = arith.divf %div3A_135, %add3A_137 : vector<1024x1xf32>
    %eq3A_141 = vector.broadcast %broadcast_in_dim3A_77 : vector<1024x1xf32> to vector<1024x2048xf32>
    %eq3A_142 = arith.cmpf oeq, %bitcast_convert_type3A_75, %eq3A_141 : vector<1024x2048xf32>
    %eq3A_143 = vector.broadcast %broadcast_in_dim3A_82 : vector<1024x1xf32> to vector<1024x2048xf32>
    %eq3A_144 = arith.cmpf oeq, %bitcast_convert_type3A_75, %eq3A_143 : vector<1024x2048xf32>
    %eq3A_145 = vector.broadcast %broadcast_in_dim3A_90 : vector<1024x1xf32> to vector<1024x2048xf32>
    %eq3A_146 = arith.cmpf oeq, %bitcast_convert_type3A_75, %eq3A_145 : vector<1024x2048xf32>
    %jit3A_147 = arith.constant 0.000000e+00 : f32
    %broadcast_in_dim3A_148 = vector.shape_cast %div3A_140 : vector<1024x1xf32> to vector<1024x1xf32>
    %broadcast_in_dim3A_149 = vector.broadcast %broadcast_in_dim3A_148 : vector<1024x1xf32> to vector<1024x2048xf32>
    %broadcast_in_dim3A_150 = vector.broadcast %jit3A_147 : f32 to vector<1024x2048xf32>
    %select_n3A_151 = arith.select %eq3A_146, %broadcast_in_dim3A_149, %broadcast_in_dim3A_150 : vector<1024x2048xi1>, vector<1024x2048xf32>
    %broadcast_in_dim3A_152 = vector.shape_cast %div3A_139 : vector<1024x1xf32> to vector<1024x1xf32>
    %broadcast_in_dim3A_153 = vector.broadcast %broadcast_in_dim3A_152 : vector<1024x1xf32> to vector<1024x2048xf32>
    %select_n3A_154 = arith.select %eq3A_144, %broadcast_in_dim3A_153, %select_n3A_151 : vector<1024x2048xi1>, vector<1024x2048xf32>
    %broadcast_in_dim3A_155 = vector.shape_cast %div3A_138 : vector<1024x1xf32> to vector<1024x1xf32>
    %broadcast_in_dim3A_156 = vector.broadcast %broadcast_in_dim3A_155 : vector<1024x1xf32> to vector<1024x2048xf32>
    %select_n3A_157 = arith.select %eq3A_142, %broadcast_in_dim3A_156, %select_n3A_154 : vector<1024x2048xi1>, vector<1024x2048xf32>
    %get3A_158 = arith.constant 0 : index
    %get3A_159 = arith.constant 0 : index
    %get3A_160 = arith.constant 0 : index
    %get3A_161 = vector.load %arg5[%get3A_158, %get3A_159, %get3A_160] : memref<1x2048x128xf32, #tpu.memory_space<vmem>>, vector<1x2048x128xf32>
    %get3A_162 = vector.shape_cast %get3A_161 : vector<1x2048x128xf32> to vector<2048x128xf32>
    %slice3A = vector.extract_strided_slice %get3A_162 {offsets = [0, 0], sizes = [2048, 64], strides = [1, 1]} : vector<2048x128xf32> to vector<2048x64xf32>
    %dot_general3A_163 = arith.constant dense<0.000000e+00> : vector<1024x64xf32>
    %dot_general3A_164 = tpu.matmul %select_n3A_157, %slice3A, %dot_general3A_163 {dimension_numbers = #tpu.dot_dimension_numbers<[1], [0], [0], [1], [0, 0, 1, 1], [], []>, transpose_lhs_hint = false} : vector<1024x2048xf32>, vector<2048x64xf32>, vector<1024x64xf32> -> vector<1024x64xf32>
    %add3A_165 = arith.addf %max3A_41, %dot_general3A_164 : vector<1024x64xf32>
    %swap3A = arith.constant 0 : index
    %swap3A_166 = arith.constant 0 : index
    %swap3A_167 = arith.constant 0 : index
    %swap3A_168 = vector.load %arg11[%swap3A, %swap3A_166, %swap3A_167] : memref<1x1024x64xf32, #tpu.memory_space<vmem>>, vector<1x1024x64xf32>
    %swap3A_169 = vector.shape_cast %swap3A_168 : vector<1x1024x64xf32> to vector<1024x64xf32>
    %swap3A_170 = vector.shape_cast %add3A_165 : vector<1024x64xf32> to vector<1x1024x64xf32>
    tpu.vector_store %arg11[%swap3A, %swap3A_166, %swap3A_167], %swap3A_170 {strides = array<i32>} : memref<1x1024x64xf32, #tpu.memory_space<vmem>>, vector<1x1024x64xf32>,
    return
  }
  func.func @transform_0(%arg0: i32, %arg1: i32) -> (i32, i32, i32) {
    %add3A = arith.constant 5 : i32
    %add3A_0 = arith.addi %arg1, %add3A : i32
    %c0_i32 = arith.constant 0 : i32
    %c0_i32_1 = arith.constant 0 : i32
    return %arg0, %add3A_0, %c0_i32 : i32, i32, i32
  }
  func.func @transform_1(%arg0: i32, %arg1: i32) -> (i32, i32, i32) {
    %add3A = arith.constant 5 : i32
    %add3A_0 = arith.addi %arg1, %add3A : i32
    %c0_i32 = arith.constant 0 : i32
    %c0_i32_1 = arith.constant 0 : i32
    return %arg0, %add3A_0, %c0_i32 : i32, i32, i32
  }
  func.func @transform_2(%arg0: i32, %arg1: i32) -> (i32, i32, i32) {
    %c0_i32 = arith.constant 0 : i32
    %c0_i32_0 = arith.constant 0 : i32
    %c0_i32_1 = arith.constant 0 : i32
    return %arg0, %c0_i32, %c0_i32_0 : i32, i32, i32
  }
  func.func @transform_3(%arg0: i32, %arg1: i32) -> (i32, i32, i32) {
    %c0_i32 = arith.constant 0 : i32
    %c0_i32_0 = arith.constant 0 : i32
    %c0_i32_1 = arith.constant 0 : i32
    return %arg0, %c0_i32, %c0_i32_0 : i32, i32, i32
  }
  func.func @transform_4(%arg0: i32, %arg1: i32) -> (i32, i32) {
    %c0_i32 = arith.constant 0 : i32
    %c0_i32_0 = arith.constant 0 : i32
    %c0_i32_1 = arith.constant 0 : i32
    return %c0_i32, %c0_i32_0 : i32, i32
  }
  func.func @transform_5(%arg0: i32, %arg1: i32) -> (i32, i32) {
    %c0_i32 = arith.constant 0 : i32
    %c0_i32_0 = arith.constant 0 : i32
    %c0_i32_1 = arith.constant 0 : i32
    return %c0_i32, %c0_i32_0 : i32, i32
  }
  func.func @transform_6(%arg0: i32, %arg1: i32) -> (i32, i32) {
    %c0_i32 = arith.constant 0 : i32
    %c0_i32_0 = arith.constant 0 : i32
    %c0_i32_1 = arith.constant 0 : i32
    return %c0_i32, %c0_i32_0 : i32, i32
  }
  func.func @transform_7(%arg0: i32, %arg1: i32) -> (i32, i32) {
    %c0_i32 = arith.constant 0 : i32
    %c0_i32_0 = arith.constant 0 : i32
    %c0_i32_1 = arith.constant 0 : i32
    return %c0_i32, %c0_i32_0 : i32, i32
  }
  func.func @transform_8(%arg0: i32, %arg1: i32) -> (i32, i32) {
    %c0_i32 = arith.constant 0 : i32
    %c0_i32_0 = arith.constant 0 : i32
    %c0_i32_1 = arith.constant 0 : i32
    return %c0_i32, %c0_i32_0 : i32, i32
  }
  func.func @transform_9(%arg0: i32, %arg1: i32) -> (i32, i32, i32) {
    %c0_i32 = arith.constant 0 : i32
    %c0_i32_0 = arith.constant 0 : i32
    return %arg0, %arg1, %c0_i32 : i32, i32, i32
  }
}

</mosaic_0001>

<sc_bundles>
// kernel: kernel.7.cloned.1.call-start
scs
__scs_entry_jumppad:
0x0: {  	(pc) =	sbr.rel $0x88, $3  }
0x1: {  	(tag) =	ssettag $0x0;
	lr =	simm.s32 $0x1  }
0x2: {  	[smem:$0x3F95] =	sst lr;
	_ =	strace $0xD0000000  }
0x3: {  	_ = 	snop  }
0x4: {  	_ = 	snop  }
0x5: {  	_ = 	snop  }
0x6: {  	_ = 	snop  }
0x7: {  	_ = 	snop  }
__scs_overlays_trampoline_lowered:
0x8: {  	[smem:$0x3FA4] =	sst s0  }
0x9: {  	[smem:$0x3FA5] =	sst s1  }
0xa: {  	[smem:$0x3FA6] =	sst s2  }
0xb: {  	[smem:$0x3FA7] =	sst s3  }
0xc: {  	[smem:$0x3FA8] =	sst s4  }
0xd: {  	[smem:$0x3FA9] =	sst s5  }
0xe: {  	[smem:$0x3FAA] =	sst s6  }
0xf: {  	[smem:$0x3FAB] =	sst s7  }
0x10: {  	[smem:$0x3FAC] =	sst s8  }
0x11: {  	[smem:$0x3FAD] =	sst s9;
	s0 =	simm.s32 @!p0 $0x0  }
0x12: {  	s1 =	sld [smem:$0x3F93];
	s0 =	simm.s32 @p0 $0x1  }
0x13: {  	[smem:$0x3FAE] =	sst s0;
	s0 =	simm.s32 @!p1 $0x0  }
0x14: {  	s2 =	sld [smem:$0x3F92];
	s0 =	simm.s32 @p1 $0x1  }
0x15: {  	[smem:$0x3FAF] =	sst s0;
	s0 =	simm.s32 @!p2 $0x0  }
0x16: {  	s3 =	sld [smem:$0x3FDB];
	s0 =	simm.s32 @p2 $0x1  }
0x17: {  	s4 =	simm.s32 $0x1BF5;
	[smem:$0x3FB1] =	sst s0  }
0x18: {  	s0 =	sld [smem:$0x3F94];
	_ =	swait.ge [sflag:s4], $0x0  }
0x19: {  	s7 =	sld [smem:$0x3F95]  }
0x1a: {  	s8 =	sadd.s32 $0xFFFFE003, lr  }
0x1b: {  	s9 =	sadd.s32 $0xFFFFFEF7, lr;
	s5 =	simm.s32 $0xFFFFFFFF;
	p2 =	slt.u32 s8, $0xFFFFF086  }
0x1c: {  	p1 =	slt.u32 s9, $0xF7A;
	s5 =	simm.s32 @!p2 $0x0  }
0x1d: {  	s5 =	simm.s32 @p1 $0x1;
	p0 =	seq.s32 s7, s2  }
0x1e: {  	s7 =	smul.u32 @!p0 $0xF7A, s2;
	p2 =	seq.s32 @!p0 s5, $0x0  }
0x1f: {  	s9 =	smul.u32 $0xF7A, s1;
	s8 =	simm.s32 @!p0 $0x1BF5;
	p2 =	por !p2, p0  }
0x20: {  	[sflag:s8] =	ssyncset.s32 @!p0 $0xFFFFF086;
	s6 =	sadd.s32 @!p0 s3, s7;
	s7 =	simm.s32 @!p0 $0x108  }
0x21: {  	s3 =	sadd.s32 s3, s9;
	s6 =	sadd.s32 @!p0 $0x88, s6;
	s7 =	simm.s32 @p2 $0x1082  }
0x22: {  	[simem:s7], [sflag:s8] =	dma.local @!p0 [hbm:s6], $0xF7A  }
0x23: {  	s9 =	sor.u32 $0xD0000000, s2;
	s6 =	simm.s32 $0x108;
	_ =	swait.ge @!p0 [sflag:s8], $0x0  }
0x24: {  	s3 =	sadd.s32 $0x88, s3;
	s6 =	simm.s32 @!p1 $0x1082;
	[sflag:s4] =	ssyncset.s32 $0xFFFFF086  }
0x25: {  	[simem:s6], [sflag:s4] =	dma.local [hbm:s3], $0xF7A  }
0x26: {  	[smem:$0x3F95] =	sst s1;
	(tag) =	ssettag s2;
	_ =	strace s9  }
0x27: {  	s1 =	sld [smem:$0x3FA5]  }
0x28: {  	s2 =	sld [smem:$0x3FA6]  }
0x29: {  	s4 =	sld [smem:$0x3FA8]  }
0x2a: {  	p0 =	seq.s32 s5, $0x0;
	s5 =	sld [smem:$0x3FA9]  }
0x2b: {  	s6 =	sld [smem:$0x3FAA]  }
0x2c: {  	s7 =	sld [smem:$0x3FAB]  }
0x2d: {  	s3 =	simm.s32 $0x108;
	s8 =	sld [smem:$0x3FAC]  }
0x2e: {  	s3 =	simm.s32 @!p0 $0x1082;
	s9 =	sld [smem:$0x3FAD]  }
0x2f: {  	lr =	sadd.s32 s0, s3;
	s0 =	sld [smem:$0x3FA4]  }
0x30: {  	s3 =	sld [smem:$0x3FA7]  }
0x31: {  	[smem:$0x3FB0] =	sst s10  }
0x32: {  	s10 =	sld [smem:$0x3FAE];
	_ =	sdelay $0x3  }
0x33: {  	p0 =	seq.s32 s10, $0x1;
	s10 =	sld [smem:$0x3FB0];
	_ =	sdelay $0x3  }
0x34: {  	[smem:$0x3FB0] =	sst s10  }
0x35: {  	s10 =	sld [smem:$0x3FAF];
	_ =	sdelay $0x3  }
0x36: {  	p1 =	seq.s32 s10, $0x1;
	s10 =	sld [smem:$0x3FB0];
	_ =	sdelay $0x3  }
0x37: {  	[smem:$0x3FB0] =	sst s10  }
0x38: {  	s10 =	sld [smem:$0x3FB1]  }
0x39: {  	_ = 	snop;
	(pc) =	sbr.ind lr, $3  }
0x3a: {  	_ = 	snop  }
0x3b: {  	_ = 	snop  }
0x3c: {  	p2 =	seq.s32 s10, $0x1;
	s10 =	sld [smem:$0x3FB0]  }
0x3d: {  	_ =	shalt  }
0x3e: {  	_ =	shalt  }
0x3f: {  	_ =	shalt  }
0x40: {  	_ =	shalt  }
0x41: {  	_ =	shalt  }
0x42: {  	_ =	shalt  }
0x43: {  	_ =	shalt  }
0x44: {  	_ =	shalt  }
0x45: {  	_ =	shalt  }
0x46: {  	_ =	shalt  }
0x47: {  	_ =	shalt  }
0x48: {  	_ =	shalt  }
0x49: {  	_ =	shalt  }
0x4a: {  	_ =	shalt  }
0x4b: {  	_ =	shalt  }
0x4c: {  	_ =	shalt  }
0x4d: {  	_ =	shalt  }
0x4e: {  	_ =	shalt  }
0x4f: {  	_ =	shalt  }
0x50: {  	_ =	shalt  }
0x51: {  	_ =	shalt  }
0x52: {  	_ =	shalt  }
0x53: {  	_ =	shalt  }
0x54: {  	_ =	shalt  }
0x55: {  	_ =	shalt  }
0x56: {  	_ =	shalt  }
0x57: {  	_ =	shalt  }
0x58: {  	_ =	shalt  }
0x59: {  	_ =	shalt  }
0x5a: {  	_ =	shalt  }
0x5b: {  	_ =	shalt  }
0x5c: {  	_ =	shalt  }
0x5d: {  	_ =	shalt  }
0x5e: {  	_ =	shalt  }
0x5f: {  	_ =	shalt  }
0x60: {  	_ =	shalt  }
0x61: {  	_ =	shalt  }
0x62: {  	_ =	shalt  }
0x63: {  	_ =	shalt  }
0x64: {  	_ =	shalt  }
0x65: {  	_ =	shalt  }
0x66: {  	_ =	shalt  }
0x67: {  	_ =	shalt  }
0x68: {  	_ =	shalt  }
0x69: {  	_ =	shalt  }
0x6a: {  	_ =	shalt  }
0x6b: {  	_ =	shalt  }
0x6c: {  	_ =	shalt  }
0x6d: {  	_ =	shalt  }
0x6e: {  	_ =	shalt  }
0x6f: {  	_ =	shalt  }
0x70: {  	_ =	shalt  }
0x71: {  	_ =	shalt  }
0x72: {  	_ =	shalt  }
0x73: {  	_ =	shalt  }
0x74: {  	_ =	shalt  }
0x75: {  	_ =	shalt  }
0x76: {  	_ =	shalt  }
0x77: {  	_ =	shalt  }
0x78: {  	_ =	shalt  }
0x79: {  	_ =	shalt  }
0x7a: {  	_ =	shalt  }
0x7b: {  	_ =	shalt  }
0x7c: {  	_ =	shalt  }
0x7d: {  	_ =	shalt  }
0x7e: {  	_ =	shalt  }
0x7f: {  	_ =	shalt  }
0x80: {  	_ =	shalt  }
0x81: {  	_ =	shalt  }
0x82: {  	_ =	shalt  }
0x83: {  	_ =	shalt  }
0x84: {  	_ =	shalt  }
0x85: {  	_ =	shalt  }
0x86: {  	_ =	shalt  }
0x87: {  	_ =	shalt  }
.Lfunc_end0:
.L_simem_size_0:
called_computation_lowered:
.L_overlay_start_0:
0x88: {  	s2 =	sld [smem:$0x3FD9]  }
0x89: {  	s3 =	sld [smem:$0x3FFE];
	_ =	sdelay $0x1  }
0x8a: {  	s1 =	srdreg.scid  }
0x8b: {  	s0 =	sand.u32 $0x1, s1  }
0x8c: {  	s14 =	sshll.u32 s0, $0xA;
	s2 =	sadd.s32 s3, s2  }
0x8d: {  	s2 =	sadd.s32 s2, s14  }
0x8e: {  	[smem:$0x3FBC] =	sst s2  }
0x8f: {  	_ = 	snop  }
0x90: {  	s2 =	sld [smem:$0x3FD0];
	_ =	sdelay $0x2  }
0x91: {  	s15 =	simm.s32 $0xA;
	s4 =	simm.s32 $0x10  }
0x92: {  	[smem:s4], [sflag:s15] =	dma.local [hbm:s2], $0x1  }
0x93: {  	_ =	swait.eq [sflag:s15], $0x1  }
0x94: {  	[sflag:s15] =	ssyncset.done $0x0  }
0x95: {  	s16 =	sld [smem:$0x10];
	[sflag:s15] =	ssyncadd.s32 $0xFFFFFFFF  }
0x96: {  	s17 =	sld [smem:$0x11];
	(tm) =	ssettm $0x1  }
0x97: {  	s18 =	sld [smem:$0x3FFB];
	_ =	sdelay $0x3  }
0x98: {  	_ =	strace s18  }
0x99: {  	s4 =	sld [smem:$0x3FFC];
	_ =	sdelay $0x3  }
0x9a: {  	_ =	strace s4  }
0x9b: {  	s4 =	sld [smem:$0x3FFD];
	_ =	sdelay $0x3  }
0x9c: {  	_ =	strace s4  }
0x9d: {  	_ =	strace $0x8FFFFFFF  }
0x9e: {  	s19 =	sld [smem:$0x3FDB];
	_ =	sdelay $0x1  }
0x9f: {  	s5 =	simm.s32 $_scs_section_size  }
0xa0: {  	s6 =	simm.s32 $_size__tile_overlayer_lowered;
	s7 =	simm.s32 $_tile_overlayer_lowered  }
0xa1: {  	s22 =	simm.s32 $0x1BFF;
	s21 =	sshll.u32 s7, $0x1;
	s4 =	sadd.s32 s5, s19  }
0xa2: {  	s8 =	simm.s32 $0x0;
	s20 =	sshll.u32 s6, $0x1;
	s6 =	sadd.s32 s21, s4  }
0xa3: {  	[timem:s8], [sflag:s22] =	dma.local [hbm:s6], s20  }
0xa4: {  	_ =	swait.ge [sflag:s22], s20  }
0xa5: {  	s5 =	ssub.s32 $0x0, s20;
	[sflag:s22] =	ssyncset.done $0x0  }
0xa6: {  	[sflag:s22] =	ssyncadd.s32 s5;
	_ =	sdelay $0x1  }
0xa7: {  	s23 =	simm.s32 $0x1B8B  }
0xa8: {  	_ =	swait.ge [sflag:s23], $0x1  }
0xa9: {  	[sflag:s23] =	ssyncset.done $0x0  }
0xaa: {  	s25 =	simm.s32 $0x1B8E;
	s24 =	sld [smem:$0x3FFE];
	[sflag:s23] =	ssyncadd.s32 $0xFFFFFFFF  }
0xab: {  	s26 =	simm.s32 $execute0_lowered;
	[smem:$0x3FD2] =	sst s25  }
0xac: {  	s6 =	sshll.u32 s26, $0x1;
	_ =	strace $0x80000046;
	[dreg:$0x1] =	wrdreg $0xFFFFFFFF  }
0xad: {  	s28 =	simm.s32 $_size_execute0_lowered;
	s4 =	sadd.s32 s4, s6;
	[dreg:$0x0] =	wrdreg $0x0  }
0xae: {  	s6 =	sshll.u32 s28, $0x1;
	[dreg:$0x2] =	wrdreg s4  }
0xaf: {  	[dreg:$0x3] =	wrdreg s6  }
0xb0: {  	[dreg:$0x4] =	wrdreg $0xC0  }
0xb1: {  	_ =	task [dreg:s8], $0x5FFFF  }
0xb2: {  	[dreg:$0x1] =	wrdreg $0xFFFFFFFF  }
0xb3: {  	[dreg:$0x0] =	wrdreg $0x60  }
0xb4: {  	[dreg:$0x2] =	wrdreg s16  }
0xb5: {  	[dreg:$0x3] =	wrdreg s17  }
0xb6: {  	[dreg:$0x4] =	wrdreg s24  }
0xb7: {  	[dreg:$0x5] =	wrdreg $0x9  }
0xb8: {  	_ =	task.clear_ibuf [dreg:s8], $0x6FFFF;
	_ =	strace $0x90000046  }
0xb9: {  	s29 =	simm.s32 $0x9;
	_ =	strace $0x80000048  }
0xba: {  	_ =	swait.ge [sflag:s29], $0x1  }
0xbb: {  	[sflag:s29] =	ssyncadd.s32 $0xFFFFFFFF  }
0xbc: {  	_ =	strace $0x90000048  }
0xbd: {  	_ =	sfence  }
0xbe: {  	s30 =	sld [smem:$0x0];
	_ =	sdelay $0x2  }
0xbf: {  	s31 =	sshll.u32 s1, $0xD;
	s1 =	sshrl.u32 s1, $0x2  }
0xc0: {  	s3 =	sand.u32 $0x4000, s31;
	s1 =	sadd.s32 s1, s30  }
0xc1: {  	s0 =	sor.u32 s3, s0;
	s1 =	sshll.u32 s1, $0x11  }
0xc2: {  	s0 =	sor.u32 s1, s0  }
0xc3: {  	s0 =	sadd.s32 $0x8F2B, s0  }
0xc4: {  	[sflag:s0] =	ssyncadd.remote.s32 $0x1  }
0xc5: {  	_ =	sfence.sel $0xFFFF  }
0xc6: {  	[dreg:$0x0] =	wrdreg $0xFFFFFFFF;
	(pc) =	sbr.abs _section_cstart, $3  }
0xc7: {  	[dreg:$0x1] =	wrdreg $0xFFFFFFFF  }
0xc8: {  	_ =	task.clear_ibuf [dreg:s8], $0x2FFFF;
	_ =	strace $0x9FFFFFFF  }
0xc9: {  	(tm) =	ssettm $0x7FFFFFFF  }
tec
execute0_lowered:
.L_overlay_start_1:
0x0: {  	(tag) =	ssettag $0x1  }
0x1: {  	s1 =	rddreg [dreg:$0x0]  }
0x2: {  	s2 =	rddreg [dreg:$0x1]  }
0x3: {  	s7 =	rddreg [dreg:$0x2]  }
0x4: {  	s0 =	rddreg [dreg:$0x3];
	s3 =	simm.s32 $0x0;
	s4 =	srdreg.scid  }
0x5: {  	s12 =	simm.s32 $0xC380;
	s13 =	simm.s32 $0x80;
	s14 =	simm.s32 $0x380  }
0x6: {  	s15 =	simm.s32 $0x4380;
	s16 =	simm.s32 $0x100;
	s17 =	simm.s32 $0x8380  }
0x7: {  	s18 =	simm.s32 $0x1;
	s19 =	simm.s32 $0x0;
	[smem:$0x7FF] =	sst s3  }
0x8: {  	s8 =	sand.u32 $0x1, s4;
	s5 =	sadd.s32 $0x102A00, s7;
	s4 =	stileid.u32  }
0x9: {  	s6 =	sadd.s32 $0x152A00, s7;
	s7 =	sadd.s32 $0x1A2A00, s7;
	s9 =	ssub.s32 $0x2, s8  }
0xa: {  	_ =	strace $0x80000047;
	s11 =	sshll.u32 s4, $0x1;
	s10 =	sshrl.u32 s9, $0x1  }
0xb: {  	s8 =	sor.u32 s8, s11;
	s11 =	simm.s32 $0x180;
	s9 =	ssub.s32 s9, s10  }
0xc: {  	s8 =	smul.u32 $0x280, s8;
	s10 =	simm.s32 $0x2;
	s9 =	smax.u32 s9, $0x1  }
.LBB2_1:
0xd: {  	s20 =	simm.s32 $0x0  }
.LBB2_2:
0xe: {  	s21 =	sshll.u32 s20, $0x7  }
0xf: {  	s21 =	sadd.s32 s8, s21  }
0x10: {  	s22 =	smul.u32 $0x3, s21;
	_ =	sdelay $0x1  }
0x11: {  	s22 =	sshrl.u32 s22, $0x3  }
0x12: {  	s23 =	sadd.s32 s2, s22  }
0x13: {  	[tilespmem:s3], [sflag:$0x2] =	stream.linear.gather [hbm4b:s23+s3], $0x180, $0x38;
	[tilespmem:$0x10380] =	vst v63  }
0x14: {  	_ =	swait.ge [sflag:s10], $0x180  }
0x15: {  	[sflag:s10] =	ssyncset.done $0x0  }
0x16: {  	s22 =	sadd.s32 s5, s22;
	[sflag:s10] =	ssyncadd.s32 $0xFFFFFE80  }
0x17: {  	[tilespmem:s11], [sflag:$0x2] =	stream.linear.gather [hbm4b:s22+s3], $0x180, $0x38;
	[tilespmem:$0x10380] =	vst v63  }
0x18: {  	_ =	swait.ge [sflag:s10], $0x180  }
0x19: {  	s21 =	sshll.u32 s21, $0x4;
	[sflag:s10] =	ssyncset.done $0x0  }
0x1a: {  	s31 =	sadd.s32 s6, s21;
	[sflag:s10] =	ssyncadd.s32 $0xFFFFFE80  }
0x1b: {  	[tilespmem:s12], [sflag:$0x2] =	stream.linear.gather [hbm4b:s31+s3], $0x4000, $0x38;
	[tilespmem:$0x10380] =	vst v63  }
0x1c: {  	_ =	swait.ge [sflag:s10], $0x4000  }
0x1d: {  	[sflag:s10] =	ssyncset.done $0x0  }
0x1e: {  	[sflag:s10] =	ssyncadd.s32 $0xFFFFC000  }
0x1f: {  	[tilespmem:s14], [sflag:$0x1] =	stream.indirect.gather [hbm4b:s1+s13], $0x80, s3, s13, $0xb8;
	[tilespmem:$0x10380] =	vst v63  }
0x20: {  	_ = 	snop  }
0x21: {  	[tilespmem:s15], [sflag:$0x1] =	stream.indirect.gather [hbm4b:s1+s13], $0x80, s13, s13, $0xb8;
	[tilespmem:$0x10380] =	vst v63  }
0x22: {  	_ = 	snop  }
0x23: {  	[tilespmem:s17], [sflag:$0x1] =	stream.indirect.gather [hbm4b:s1+s13], $0x80, s16, s13, $0xb8;
	[tilespmem:$0x10380] =	vst v63  }
0x24: {  	_ =	swait.ge [sflag:s18], $0x4000  }
0x25: {  	[sflag:s18] =	ssyncset.done $0x0  }
0x26: {  	[sflag:s18] =	ssyncadd.s32 $0xFFFFC000  }
0x27: {  	_ =	swait.ge [sflag:s18], $0x4000  }
0x28: {  	[sflag:s18] =	ssyncset.done $0x0  }
0x29: {  	[sflag:s18] =	ssyncadd.s32 $0xFFFFC000  }
0x2a: {  	_ =	swait.ge [sflag:s18], $0x4000  }
0x2b: {  	[sflag:s18] =	ssyncset.done $0x0  }
0x2c: {  	s22 =	simm.s32 $0x183;
	[sflag:s18] =	ssyncadd.s32 $0xFFFFC000  }
0x2d: {  	v0 =	vld [tilespmem:s22+$0xFFFFFFFD]  }
0x2e: {  	s24 =	simm.s32 $0x500  }
0x2f: {  	s23 =	simm.s32 $0xC400;
	v1 =	vld [tilespmem:s24+$0xFFFFFE80]  }
0x30: {  	v2 =	vld [tilespmem:s23+$0xFFFFFF80]  }
0x31: {  	v3 =	vld [tilespmem:s24+$0xFFFFFF00]  }
0x32: {  	v4 =	vbroadcast v0, $0x0  }
0x33: {  	v5 =	vld [tilespmem:s24+$0xFFFFFF80]  }
0x34: {  	v6 =	vbroadcast v0, $0x1;
	v1 =	vmul.f32 v1, v4;
	_ =	sdelay $0x1  }
0x35: {  	v0 =	vbroadcast v0, $0x2;
	v1 =	vadd.f32 v1, v2;
	v2 =	vmul.f32 v3, v6;
	_ =	sdelay $0x1  }
0x36: {  	v1 =	vadd.f32 v2, v1;
	v2 =	vmul.f32 v5, v0;
	_ =	sdelay $0x1  }
0x37: {  	v1 =	vadd.f32 v2, v1;
	_ =	sdelay $0x1  }
0x38: {  	[tilespmem:s23+$0xFFFFFF80] =	vst v1  }
0x39: {  	v1 =	vld [tilespmem:s24+$0xFFFFFE90]  }
0x3a: {  	v2 =	vld [tilespmem:s23+$0xFFFFFF90]  }
0x3b: {  	v3 =	vld [tilespmem:s24+$0xFFFFFF10];
	_ =	sdelay $0x1  }
0x3c: {  	v55 =	vld [tilespmem:s24+$0xFFFFFF90]  }
0x3d: {  	v1 =	vmul.f32 v1, v4;
	_ =	sdelay $0x1  }
0x3e: {  	v1 =	vadd.f32 v1, v2;
	v2 =	vmul.f32 v3, v6;
	_ =	sdelay $0x1  }
0x3f: {  	v1 =	vadd.f32 v2, v1;
	v2 =	vmul.f32 v55, v0;
	_ =	sdelay $0x1  }
0x40: {  	v1 =	vadd.f32 v2, v1;
	_ =	sdelay $0x1  }
0x41: {  	[tilespmem:s23+$0xFFFFFF90] =	vst v1  }
0x42: {  	v1 =	vld [tilespmem:s24+$0xFFFFFEA0]  }
0x43: {  	v2 =	vld [tilespmem:s23+$0xFFFFFFA0]  }
0x44: {  	v3 =	vld [tilespmem:s24+$0xFFFFFF20];
	_ =	sdelay $0x1  }
0x45: {  	v56 =	vld [tilespmem:s24+$0xFFFFFFA0]  }
0x46: {  	v1 =	vmul.f32 v1, v4;
	_ =	sdelay $0x1  }
0x47: {  	v1 =	vadd.f32 v1, v2;
	v2 =	vmul.f32 v3, v6;
	_ =	sdelay $0x1  }
0x48: {  	v1 =	vadd.f32 v2, v1;
	v2 =	vmul.f32 v56, v0;
	_ =	sdelay $0x1  }
0x49: {  	v1 =	vadd.f32 v2, v1;
	_ =	sdelay $0x1  }
0x4a: {  	[tilespmem:s23+$0xFFFFFFA0] =	vst v1  }
0x4b: {  	v1 =	vld [tilespmem:s24+$0xFFFFFEB0]  }
0x4c: {  	v2 =	vld [tilespmem:s23+$0xFFFFFFB0]  }
0x4d: {  	v3 =	vld [tilespmem:s24+$0xFFFFFF30];
	_ =	sdelay $0x1  }
0x4e: {  	v57 =	vld [tilespmem:s24+$0xFFFFFFB0]  }
0x4f: {  	v1 =	vmul.f32 v1, v4;
	_ =	sdelay $0x1  }
0x50: {  	v1 =	vadd.f32 v1, v2;
	v2 =	vmul.f32 v3, v6;
	_ =	sdelay $0x1  }
0x51: {  	v0 =	vmul.f32 v57, v0;
	v1 =	vadd.f32 v2, v1;
	_ =	sdelay $0x1  }
0x52: {  	v0 =	vadd.f32 v0, v1;
	_ =	sdelay $0x1  }
0x53: {  	[tilespmem:s23+$0xFFFFFFB0] =	vst v0  }
0x54: {  	v0 =	vld [tilespmem:s22+$0x0];
	_ =	sdelay $0x1  }
0x55: {  	v1 =	vld [tilespmem:s24+$0x0]  }
0x56: {  	v2 =	vld [tilespmem:s23+$0x0]  }
0x57: {  	v3 =	vld [tilespmem:s24+$0x80]  }
0x58: {  	v58 =	vbroadcast v0, $0x0  }
0x59: {  	v59 =	vld [tilespmem:s24+$0x100]  }
0x5a: {  	v60 =	vbroadcast v0, $0x1;
	v1 =	vmul.f32 v1, v58;
	_ =	sdelay $0x1  }
0x5b: {  	v0 =	vbroadcast v0, $0x2;
	v1 =	vadd.f32 v1, v2;
	v2 =	vmul.f32 v3, v60;
	_ =	sdelay $0x1  }
0x5c: {  	v1 =	vadd.f32 v2, v1;
	v2 =	vmul.f32 v59, v0;
	_ =	sdelay $0x1  }
0x5d: {  	v1 =	vadd.f32 v2, v1;
	_ =	sdelay $0x1  }
0x5e: {  	[tilespmem:s23+$0x0] =	vst v1  }
0x5f: {  	v1 =	vld [tilespmem:s24+$0x10]  }
0x60: {  	v2 =	vld [tilespmem:s23+$0x10]  }
0x61: {  	v3 =	vld [tilespmem:s24+$0x90];
	_ =	sdelay $0x1  }
0x62: {  	v61 =	vld [tilespmem:s24+$0x110]  }
0x63: {  	v1 =	vmul.f32 v1, v58;
	_ =	sdelay $0x1  }
0x64: {  	v3 =	vmul.f32 v3, v60;
	v1 =	vadd.f32 v1, v2;
	_ =	sdelay $0x1  }
0x65: {  	v2 =	vmul.f32 v61, v0;
	v1 =	vadd.f32 v3, v1;
	_ =	sdelay $0x1  }
0x66: {  	v1 =	vadd.f32 v2, v1;
	_ =	sdelay $0x1  }
0x67: {  	[tilespmem:s23+$0x10] =	vst v1  }
0x68: {  	v1 =	vld [tilespmem:s24+$0x20]  }
0x69: {  	v2 =	vld [tilespmem:s23+$0x20]  }
0x6a: {  	v3 =	vld [tilespmem:s24+$0xA0];
	_ =	sdelay $0x1  }
0x6b: {  	v62 =	vld [tilespmem:s24+$0x120]  }
0x6c: {  	v1 =	vmul.f32 v1, v58;
	_ =	sdelay $0x1  }
0x6d: {  	v3 =	vmul.f32 v3, v60;
	v1 =	vadd.f32 v1, v2;
	_ =	sdelay $0x1  }
0x6e: {  	v2 =	vmul.f32 v62, v0;
	v1 =	vadd.f32 v3, v1;
	_ =	sdelay $0x1  }
0x6f: {  	v1 =	vadd.f32 v2, v1;
	_ =	sdelay $0x1  }
0x70: {  	[tilespmem:s23+$0x20] =	vst v1  }
0x71: {  	v1 =	vld [tilespmem:s24+$0x30]  }
0x72: {  	v2 =	vld [tilespmem:s23+$0x30]  }
0x73: {  	v3 =	vld [tilespmem:s24+$0xB0];
	_ =	sdelay $0x1  }
0x74: {  	v63 =	vld [tilespmem:s24+$0x130]  }
0x75: {  	v1 =	vmul.f32 v1, v58;
	_ =	sdelay $0x1  }
0x76: {  	v3 =	vmul.f32 v3, v60;
	v1 =	vadd.f32 v1, v2;
	_ =	sdelay $0x1  }
0x77: {  	v0 =	vmul.f32 v63, v0;
	v1 =	vadd.f32 v3, v1;
	_ =	sdelay $0x1  }
0x78: {  	v0 =	vadd.f32 v0, v1  }
0x79: {  	s25 =	simm.s32 $0x800;
	s24 =	simm.s32 $0x0  }
.LBB2_3:
0x7a: {  	s24 =	sadd.s32 $0x2, s24;
	[tilespmem:s23+$0x30] =	vst v0;
	s22 =	sadd.s32 $0x6, s22;
	s23 =	sadd.s32 $0x100, s23  }
0x7b: {  	v0 =	vld [tilespmem:s22+$0xFFFFFFFD];
	p0 =	slt.u32 s24, $0x7E;
	_ =	sdelay $0x1  }
0x7c: {  	v1 =	vld [tilespmem:s25+$0xFFFFFE80]  }
0x7d: {  	v2 =	vld [tilespmem:s23+$0xFFFFFF80]  }
0x7e: {  	v3 =	vld [tilespmem:s25+$0xFFFFFF00]  }
0x7f: {  	v4 =	vbroadcast v0, $0x0;
	v5 =	vbroadcast v0, $0x1  }
0x80: {  	v0 =	vbroadcast v0, $0x2;
	v6 =	vld [tilespmem:s25+$0xFFFFFF80]  }
0x81: {  	v1 =	vmul.f32 v1, v4;
	_ =	sdelay $0x1  }
0x82: {  	v1 =	vadd.f32 v1, v2;
	v2 =	vmul.f32 v3, v5;
	_ =	sdelay $0x1  }
0x83: {  	v1 =	vadd.f32 v2, v1;
	v2 =	vmul.f32 v6, v0;
	_ =	sdelay $0x1  }
0x84: {  	v1 =	vadd.f32 v2, v1;
	_ =	sdelay $0x1  }
0x85: {  	[tilespmem:s23+$0xFFFFFF80] =	vst v1  }
0x86: {  	v1 =	vld [tilespmem:s25+$0xFFFFFE90]  }
0x87: {  	v2 =	vld [tilespmem:s23+$0xFFFFFF90]  }
0x88: {  	v3 =	vld [tilespmem:s25+$0xFFFFFF10];
	_ =	sdelay $0x1  }
0x89: {  	v6 =	vld [tilespmem:s25+$0xFFFFFF90]  }
0x8a: {  	v1 =	vmul.f32 v1, v4;
	_ =	sdelay $0x1  }
0x8b: {  	v1 =	vadd.f32 v1, v2;
	v2 =	vmul.f32 v3, v5;
	_ =	sdelay $0x1  }
0x8c: {  	v1 =	vadd.f32 v2, v1;
	v2 =	vmul.f32 v6, v0;
	_ =	sdelay $0x1  }
0x8d: {  	v1 =	vadd.f32 v2, v1;
	_ =	sdelay $0x1  }
0x8e: {  	[tilespmem:s23+$0xFFFFFF90] =	vst v1  }
0x8f: {  	v1 =	vld [tilespmem:s25+$0xFFFFFEA0]  }
0x90: {  	v2 =	vld [tilespmem:s23+$0xFFFFFFA0]  }
0x91: {  	v3 =	vld [tilespmem:s25+$0xFFFFFF20];
	_ =	sdelay $0x1  }
0x92: {  	v6 =	vld [tilespmem:s25+$0xFFFFFFA0]  }
0x93: {  	v1 =	vmul.f32 v1, v4;
	_ =	sdelay $0x1  }
0x94: {  	v1 =	vadd.f32 v1, v2;
	v2 =	vmul.f32 v3, v5;
	_ =	sdelay $0x1  }
0x95: {  	v1 =	vadd.f32 v2, v1;
	v2 =	vmul.f32 v6, v0;
	_ =	sdelay $0x1  }
0x96: {  	v1 =	vadd.f32 v2, v1;
	_ =	sdelay $0x1  }
0x97: {  	[tilespmem:s23+$0xFFFFFFA0] =	vst v1  }
0x98: {  	v1 =	vld [tilespmem:s25+$0xFFFFFEB0]  }
0x99: {  	v2 =	vld [tilespmem:s23+$0xFFFFFFB0]  }
0x9a: {  	v3 =	vld [tilespmem:s25+$0xFFFFFF30];
	_ =	sdelay $0x1  }
0x9b: {  	v6 =	vld [tilespmem:s25+$0xFFFFFFB0]  }
0x9c: {  	v1 =	vmul.f32 v1, v4;
	_ =	sdelay $0x1  }
0x9d: {  	v1 =	vadd.f32 v1, v2;
	v2 =	vmul.f32 v3, v5;
	_ =	sdelay $0x1  }
0x9e: {  	v1 =	vadd.f32 v2, v1;
	v0 =	vmul.f32 v6, v0;
	_ =	sdelay $0x1  }
0x9f: {  	v0 =	vadd.f32 v0, v1;
	_ =	sdelay $0x1  }
0xa0: {  	[tilespmem:s23+$0xFFFFFFB0] =	vst v0  }
0xa1: {  	v0 =	vld [tilespmem:s22+$0x0];
	_ =	sdelay $0x1  }
0xa2: {  	v1 =	vld [tilespmem:s25+$0x0]  }
0xa3: {  	v2 =	vld [tilespmem:s23+$0x0]  }
0xa4: {  	v3 =	vld [tilespmem:s25+$0x80]  }
0xa5: {  	v4 =	vbroadcast v0, $0x0;
	v5 =	vbroadcast v0, $0x1  }
0xa6: {  	v0 =	vbroadcast v0, $0x2;
	v6 =	vld [tilespmem:s25+$0x100]  }
0xa7: {  	v1 =	vmul.f32 v1, v4;
	_ =	sdelay $0x1  }
0xa8: {  	v1 =	vadd.f32 v1, v2;
	v2 =	vmul.f32 v3, v5;
	_ =	sdelay $0x1  }
0xa9: {  	v1 =	vadd.f32 v2, v1;
	v2 =	vmul.f32 v6, v0;
	_ =	sdelay $0x1  }
0xaa: {  	v1 =	vadd.f32 v2, v1;
	_ =	sdelay $0x1  }
0xab: {  	[tilespmem:s23+$0x0] =	vst v1;
	v1 =	vld [tilespmem:s23+$0x10]  }
0xac: {  	v2 =	vld [tilespmem:s25+$0x10]  }
0xad: {  	v3 =	vld [tilespmem:s25+$0x90]  }
0xae: {  	v6 =	vld [tilespmem:s25+$0x110];
	_ =	sdelay $0x2  }
0xaf: {  	v2 =	vmul.f32 v2, v4  }
0xb0: {  	v3 =	vmul.f32 v3, v5  }
0xb1: {  	v1 =	vadd.f32 v2, v1;
	v2 =	vmul.f32 v6, v0;
	_ =	sdelay $0x1  }
0xb2: {  	v1 =	vadd.f32 v3, v1;
	_ =	sdelay $0x1  }
0xb3: {  	v1 =	vadd.f32 v2, v1;
	_ =	sdelay $0x1  }
0xb4: {  	[tilespmem:s23+$0x10] =	vst v1;
	v1 =	vld [tilespmem:s23+$0x20]  }
0xb5: {  	v2 =	vld [tilespmem:s25+$0x20]  }
0xb6: {  	v3 =	vld [tilespmem:s25+$0xA0]  }
0xb7: {  	v6 =	vld [tilespmem:s25+$0x120];
	_ =	sdelay $0x2  }
0xb8: {  	v2 =	vmul.f32 v2, v4  }
0xb9: {  	v3 =	vmul.f32 v3, v5  }
0xba: {  	v1 =	vadd.f32 v2, v1;
	v2 =	vmul.f32 v6, v0;
	_ =	sdelay $0x1  }
0xbb: {  	v1 =	vadd.f32 v3, v1;
	_ =	sdelay $0x1  }
0xbc: {  	v1 =	vadd.f32 v2, v1;
	_ =	sdelay $0x1  }
0xbd: {  	[tilespmem:s23+$0x20] =	vst v1;
	v1 =	vld [tilespmem:s23+$0x30]  }
0xbe: {  	v2 =	vld [tilespmem:s25+$0x30]  }
0xbf: {  	v3 =	vld [tilespmem:s25+$0xB0]  }
0xc0: {  	v6 =	vld [tilespmem:s25+$0x130];
	_ =	sdelay $0x2  }
0xc1: {  	v2 =	vmul.f32 v2, v4  }
0xc2: {  	v3 =	vmul.f32 v3, v5  }
0xc3: {  	v1 =	vadd.f32 v2, v1;
	v0 =	vmul.f32 v6, v0  }
.Ltmp0:
0xc4: {  	(pc) =	sbr.rel @p0 .LBB2_3-.Ltmp0, $3  }
0xc5: {  	v1 =	vadd.f32 v3, v1;
	_ =	sdelay $0x1  }
0xc6: {  	v0 =	vadd.f32 v0, v1  }
0xc7: {  	s25 =	sadd.s32 $0x300, s25  }
0xc8: {  	s20 =	sadd.s32 $0x1, s20  }
0xc9: {  	p0 =	sne.s32 s20, $0x5  }
.Ltmp1:
0xca: {  	[tilespmem:s23+$0x30] =	vst v0;
	s21 =	sadd.s32 s7, s21;
	(pc) =	sbr.rel @p0 .LBB2_2-.Ltmp1, $4  }
0xcb: {  	[hbm4b:s21+s3] =	stream.linear.scatter [tilespmem:s12], [sflag:$0x2], $0x4000, $0x38;
	[tilespmem:$0x10380] =	vst v63  }
0xcc: {  	_ =	swait.ge [sflag:s10], $0x4000  }
0xcd: {  	[sflag:s10] =	ssyncset.done $0x0  }
0xce: {  	[sflag:s10] =	ssyncadd.s32 $0xFFFFC000  }
0xcf: {  	s19 =	sadd.s32 $0x1, s19  }
0xd0: {  	p0 =	sne.s32 s19, s9  }
.Ltmp2:
0xd1: {  	_ = 	snop;
	(pc) =	sbr.rel @p0 .LBB2_1-.Ltmp2, $1  }
0xd2: {  	_ =	sdelay $0x3  }
0xd3: {  	_ =	sfence.sel $0x180000  }
0xd4: {  	[bflag:$0x0] =	sbarrier.arrive $0xFFFF  }
0xd5: {  	p0 =	sne.s32 s4, $0x0;
	_ =	strace $0x90000047  }
0xd6: {  	s0 =	sadd.s32 @!p0 $0x100000, s0;
	[bflag:$0x2] =	sbarrier.arrive $0xFFFF  }
0xd7: {  	[sflag:s0] =	ssyncadd.tile.s32 @!p0 $0x1;
	_ =	shalt  }
.Lfunc_end2:
_tile_overlayer_lowered:
.L_overlay_start_2:
0xd8: {  	(tag) =	ssettag $0x2  }
0xd9: {  	s0 =	rddreg [dreg:$0x0];
	s2 =	stileid.u32  }
0xda: {  	s1 =	rddreg [dreg:$0x1];
	p0 =	sne.s32 s2, $0x0  }
0xdb: {  	s3 =	rddreg [dreg:$0x2];
	[bflag:$0x3] =	sbarrier.arrive $0xFFFF;
	s2 =	simm.s32 @!p0 $0x1C02  }
0xdc: {  	[timem:s3], [sflag:s2] =	dma.local @!p0 [hbm:s0], s1  }
0xdd: {  	s0 =	simm.s32 @!p0 $0x2  }
0xde: {  	_ =	swait.ge @!p0 [sflag:s0], s1  }
0xdf: {  	s1 =	ssub.s32 @!p0 $0x0, s1;
	[sflag:s0] =	ssyncset.done @!p0 $0x0  }
0xe0: {  	[sflag:s0] =	ssyncadd.s32 @!p0 s1  }
0xe1: {  	[bflag:$0x3] =	sbarrier.arrive $0xFFFF  }
0xe2: {  	_ =	shalt  }

</sc_bundles>
